<compile_context>
chip_gen: v7x
topology: tpu7x:2x2x1
jax: 0.10.2.dev20260603
libtpu: 0.0.44.dev20260713+nightly
codegen_flags: <defaults>
</compile_context>

<pallas_src>
import jax
import jax.numpy as jnp
from jax import lax
from jax.experimental import pallas as pl
from jax.experimental.pallas import tpu as pltpu
from jax.experimental.pallas import tpu_sc as plsc

_B, _C, _T, _H, _W = 4, 64, 16, 32, 32
_OT, _OH, _OW = 32, 64, 64
_NS = _B * _C
_E = _T * _H * _W
_OWF = _OT * _OH * _OW
_HALF = _OWF // 2
_TOT = _NS * _E
_NC, _NSUB = 2, 16
_NW = _NC * _NSUB
_RHPW = 2 * _NS // _NW
_SEG = 16640


def _body(sgi_hbm, sval_hbm, out_hbm, seg_i, seg_v, half_v, probe_v, sem):
    wid = lax.axis_index("s") * _NC + lax.axis_index("c")
    lanes = lax.iota(jnp.int32, 16)
    zeros16 = jnp.zeros((16,), jnp.float32)

    def bsearch(q):
        def step(t, lh):
            blo, bhi = lh
            mid = (blo + bhi) // 2
            pltpu.async_copy(sgi_hbm.at[mid], probe_v, sem).wait()
            lt = probe_v[...] < q
            return (jnp.where(lt, mid + 1, blo), jnp.where(lt, bhi, mid))

        blo, bhi = lax.fori_loop(
            0, 22, step,
            (jnp.zeros((16,), jnp.int32), jnp.full((16,), _TOT, jnp.int32)))
        return blo

    b0 = bsearch((wid * _RHPW + lanes) * _HALF)
    b1 = bsearch((wid * _RHPW + lanes + 1) * _HALF)

    def one_rh(k, carry):
        b0c, b1c = carry
        rh = wid * _RHPW + k
        row = rh // 2
        lo = (rh % 2) * _HALF
        base = rh * _HALF
        neg = jnp.int32(-2147483648)
        start = jnp.max(jnp.where(lanes == k, b0c, neg))
        end = jnp.max(jnp.where(lanes == k, b1c, neg))
        start_a = jnp.minimum((start // 16) * 16, _TOT - _SEG)
        nv8 = (end - start_a + 127) // 128

        ci = pltpu.async_copy(sgi_hbm.at[pl.ds(start_a, _SEG)], seg_i, sem)
        cv = pltpu.async_copy(sval_hbm.at[pl.ds(start_a, _SEG)], seg_v, sem)

        def zero_v(i, c):
            for j in range(8):
                half_v[pl.ds((i * 8 + j) * 16, 16)] = zeros16
            return c

        lax.fori_loop(0, _HALF // 128, zero_v, None)
        ci.wait()
        cv.wait()

        def scat_v(v, c):
            for j in range(8):
                off = (v * 8 + j) * 16
                gi = seg_i[pl.ds(off, 16)]
                val = seg_v[pl.ds(off, 16)]
                li = gi - base
                m = (li >= 0) & (li < _HALF)
                _, last = plsc.scan_count(gi)
                m = m & last
                si = jnp.where(m, li, 0)
                plsc.store_scatter(half_v, [si], val, mask=m)
            return c

        lax.fori_loop(0, nv8, scat_v, None)
        pltpu.sync_copy(half_v, out_hbm.at[row, pl.ds(lo, _HALF)])
        return (b0c, b1c)

    lax.fori_loop(0, _RHPW, one_rh, (b0, b1))


_sc_call = pl.kernel(
    _body,
    out_type=jax.ShapeDtypeStruct((_NS, _OWF), jnp.float32),
    mesh=plsc.VectorSubcoreMesh(core_axis_name="c", subcore_axis_name="s"),
    compiler_params=pltpu.CompilerParams(needs_layout_passes=False),
    scratch_types=[
        pltpu.VMEM((_SEG,), jnp.int32),
        pltpu.VMEM((_SEG,), jnp.float32),
        pltpu.VMEM((_HALF,), jnp.float32),
        pltpu.VMEM((16,), jnp.int32),
        pltpu.SemaphoreType.DMA,
    ],
)


def kernel(input, indices):
    x = input.reshape(_TOT)
    idx2 = indices.reshape(_NS, _E)
    rows = jnp.arange(_NS, dtype=jnp.int32)[:, None]
    gidx = (rows * _OWF + idx2).reshape(_TOT)
    sgi, sv = lax.sort((gidx, x), dimension=0, is_stable=False, num_keys=1)
    out = _sc_call(sgi, sv)
    return out.reshape(_B, _C, _OT, _OH, _OW)

# --- scband reference (transcript-rebuilt; emitter-appended) ---
"""Pipeline reference for scband-volumetric-max-unpooling-47261820125878 (READ-ONLY COPY).

The authoritative reference and input builder live on the scoring server;
editing this copy changes nothing except your own understanding.
"""

import jax, jax.numpy as jnp
import numpy as np

OT, OH, OW = 32, 64, 64
B, C, T, H, W = 4, 64, 16, 32, 32

def setup_inputs(seed: int = 0) -> dict:
    key = jax.random.key(seed)
    k1, k2 = jax.random.split(key)
    x = jax.random.normal(k1, (B, C, T, H, W), dtype=jnp.float32)
    indices = jax.random.randint(k2, (B, C, T, H, W), 0, OT * OH * OW, dtype=jnp.int32)
    return {"input": x, "indices": indices}

def reference(input, indices):
    # VolumetricMaxUnpooling: scatter pooled values into a zero-initialized
    # output volume at the flat positions recorded by the max-pooling indices.
    n_slices = B * C
    x_flat = input.reshape(n_slices, -1)
    idx_flat = indices.reshape(n_slices, -1)
    out = jnp.zeros((n_slices, OT * OH * OW), dtype=input.dtype)
    rows = jnp.arange(n_slices)[:, None]
    out = out.at[rows, idx_flat].set(x_flat)
    return out.reshape(B, C, OT, OH, OW)

if __name__ == "__main__":
    import jax
    _d = setup_inputs()
    print(jax.jit(kernel)(*tuple(_d.values())))

</pallas_src>

<mosaic_0001>
#map = affine_map<(d0, d1) -> (0)>
#map1 = affine_map<(d0, d1) -> (0, 0)>
module attributes {stable_mosaic.version = 14 : i64} {
  func.func @_body(%arg0: i32, %arg1: i32, %arg2: memref<4194304xi32, #tpu.memory_space<hbm>>, %arg3: memref<4194304xf32, #tpu.memory_space<hbm>>, %arg4: memref<256x131072xf32, #tpu.memory_space<hbm>>, %arg5: memref<16640xi32, #tpu.memory_space<vmem>>, %arg6: memref<16640xf32, #tpu.memory_space<vmem>>, %arg7: memref<65536xf32, #tpu.memory_space<vmem>>, %arg8: memref<16xi32, #tpu.memory_space<vmem>>, %arg9: memref<!tpu.dma_semaphore, #tpu.memory_space<semaphore_mem>>) attributes {dimension_semantics = [#tpu.dimension_semantics<core_parallel>, #tpu.dimension_semantics<subcore_parallel>], iteration_bounds = array<i64: 2, 16>, scalar_prefetch = 0 : i64, scratch_operands = 5 : i64, tpu.core_type = #tpu.core_type<sc_vector_subcore>, window_params = [{transform_indices = #map}, {transform_indices = #map}, {transform_indices = #map1}]} {
    %mul3A = arith.constant 2 : i32
    %mul3A_0 = arith.muli %arg1, %mul3A : i32
    %add3A = arith.addi %mul3A_0, %arg0 : i32
    %iota3A = tpu.iota {dimensions = array<i32: 0>} : vector<16xi32>
    %broadcast_in_dim3A = arith.constant 0.000000e+00 : f32
    %broadcast_in_dim3A_1 = vector.broadcast %broadcast_in_dim3A : f32 to vector<16xf32>
    %mul3A_2 = arith.constant 16 : i32
    %mul3A_3 = arith.muli %add3A, %mul3A_2 : i32
    %add3A_4 = vector.broadcast %mul3A_3 : i32 to vector<16xi32>
    %add3A_5 = arith.addi %add3A_4, %iota3A : vector<16xi32>
    %mul3A_6 = arith.constant 65536 : i32
    %mul3A_7 = vector.broadcast %mul3A_6 : i32 to vector<16xi32>
    %mul3A_8 = arith.muli %add3A_5, %mul3A_7 : vector<16xi32>
    %broadcast_in_dim3A_9 = arith.constant 0 : i32
    %broadcast_in_dim3A_10 = vector.broadcast %broadcast_in_dim3A_9 : i32 to vector<16xi32>
    %broadcast_in_dim3A_11 = arith.constant 4194304 : i32
    %broadcast_in_dim3A_12 = vector.broadcast %broadcast_in_dim3A_11 : i32 to vector<16xi32>
    %scan3A = arith.constant 0 : i32
    %scan3A_13 = arith.constant 22 : i32
    %scan3A_14 = arith.addi %scan3A, %scan3A_13 : i32
    %scan3A_15 = arith.constant 1 : i32
    %scan3A_16:2 = scf.for %scan3A_43 = %scan3A to %scan3A_14 step %scan3A_15 iter_args(%scan3A_44 = %broadcast_in_dim3A_10, %scan3A_45 = %broadcast_in_dim3A_12) -> (vector<16xi32>, vector<16xi32>)  : i32 {
      %add3A_46 = arith.addi %scan3A_44, %scan3A_45 : vector<16xi32>
      %jit3A = arith.constant 2 : i32
      %div3A = vector.broadcast %jit3A : i32 to vector<16xi32>
      %div3A_47 = arith.divsi %add3A_46, %div3A : vector<16xi32>
      %sign3A = arith.constant 0 : i32
      %sign3A_48 = vector.broadcast %sign3A : i32 to vector<16xi32>
      %sign3A_49 = arith.cmpi sgt, %add3A_46, %sign3A_48 : vector<16xi32>
      %sign3A_50 = arith.extui %sign3A_49 : vector<16xi1> to vector<16xi32>
      %sign3A_51 = arith.constant 0 : i32
      %sign3A_52 = vector.broadcast %sign3A_51 : i32 to vector<16xi32>
      %sign3A_53 = arith.cmpi slt, %add3A_46, %sign3A_52 : vector<16xi32>
      %sign3A_54 = arith.extui %sign3A_53 : vector<16xi1> to vector<16xi32>
      %sign3A_55 = arith.subi %sign3A_50, %sign3A_54 : vector<16xi32>
      %sign3A_56 = arith.constant 0 : i32
      %sign3A_57 = arith.cmpi sgt, %jit3A, %sign3A_56 : i32
      %sign3A_58 = arith.extui %sign3A_57 : i1 to i32
      %sign3A_59 = arith.constant 0 : i32
      %sign3A_60 = arith.cmpi slt, %jit3A, %sign3A_59 : i32
      %sign3A_61 = arith.extui %sign3A_60 : i1 to i32
      %sign3A_62 = arith.subi %sign3A_58, %sign3A_61 : i32
      %ne3A = vector.broadcast %sign3A_62 : i32 to vector<16xi32>
      %ne3A_63 = arith.cmpi ne, %sign3A_55, %ne3A : vector<16xi32>
      %rem3A = vector.broadcast %jit3A : i32 to vector<16xi32>
      %rem3A_64 = arith.remsi %add3A_46, %rem3A : vector<16xi32>
      %ne3A_65 = arith.constant 0 : i32
      %ne3A_66 = vector.broadcast %ne3A_65 : i32 to vector<16xi32>
      %ne3A_67 = arith.cmpi ne, %rem3A_64, %ne3A_66 : vector<16xi32>
      %and3A = arith.andi %ne3A_63, %ne3A_67 : vector<16xi1>
      %sub3A = arith.constant 1 : i32
      %sub3A_68 = vector.broadcast %sub3A : i32 to vector<16xi32>
      %sub3A_69 = arith.subi %div3A_47, %sub3A_68 : vector<16xi32>
      %select_n3A = arith.select %and3A, %sub3A_69, %div3A_47 : vector<16xi1>, vector<16xi32>
      %dma_start3A = arith.constant 0 : i32
      %dma_start3A_70 = tpu.memref_slice %arg2[%dma_start3A] : memref<4194304xi32, #tpu.memory_space<hbm>> -> memref<4194304xi32, #tpu.memory_space<hbm>>
      tpu.enqueue_indirect_dma source(%dma_start3A_70 : memref<4194304xi32, #tpu.memory_space<hbm>>) target(%arg8 : memref<16xi32, #tpu.memory_space<vmem>>) offsets(%select_n3A : vector<16xi32>) semaphore(%arg9 : memref<!tpu.dma_semaphore, #tpu.memory_space<semaphore_mem>>)
      %dma_wait3A = arith.constant 0 : i32
      %dma_wait3A_71 = tpu.memref_slice %arg2[%dma_wait3A] : memref<4194304xi32, #tpu.memory_space<hbm>> -> memref<4194304xi32, #tpu.memory_space<hbm>>
      tpu.wait_indirect_dma semaphore(%arg9 : memref<!tpu.dma_semaphore, #tpu.memory_space<semaphore_mem>>) src(%dma_wait3A_71 : memref<4194304xi32, #tpu.memory_space<hbm>>) dst(%arg8 : memref<16xi32, #tpu.memory_space<vmem>>)
      %get3A = arith.constant 0 : index
      %get3A_72 = tpu.vector_load %arg8[%get3A] {strides = array<i32>} : memref<16xi32, #tpu.memory_space<vmem>>, vector<16xi32>,
      %lt3A = arith.cmpi slt, %get3A_72, %mul3A_8 : vector<16xi32>
      %add3A_73 = arith.constant 1 : i32
      %add3A_74 = vector.broadcast %add3A_73 : i32 to vector<16xi32>
      %add3A_75 = arith.addi %select_n3A, %add3A_74 : vector<16xi32>
      %select_n3A_76 = arith.select %lt3A, %add3A_75, %scan3A_44 : vector<16xi1>, vector<16xi32>
      %select_n3A_77 = arith.select %lt3A, %scan3A_45, %select_n3A : vector<16xi1>, vector<16xi32>
      scf.yield %select_n3A_76, %select_n3A_77 : vector<16xi32>, vector<16xi32>
    }
    %scan3A_17 = arith.constant 22 : i32
    %mul3A_18 = arith.constant 16 : i32
    %mul3A_19 = arith.muli %add3A, %mul3A_18 : i32
    %add3A_20 = vector.broadcast %mul3A_19 : i32 to vector<16xi32>
    %add3A_21 = arith.addi %add3A_20, %iota3A : vector<16xi32>
    %add3A_22 = arith.constant 1 : i32
    %add3A_23 = vector.broadcast %add3A_22 : i32 to vector<16xi32>
    %add3A_24 = arith.addi %add3A_21, %add3A_23 : vector<16xi32>
    %mul3A_25 = arith.constant 65536 : i32
    %mul3A_26 = vector.broadcast %mul3A_25 : i32 to vector<16xi32>
    %mul3A_27 = arith.muli %add3A_24, %mul3A_26 : vector<16xi32>
    %broadcast_in_dim3A_28 = arith.constant 0 : i32
    %broadcast_in_dim3A_29 = vector.broadcast %broadcast_in_dim3A_28 : i32 to vector<16xi32>
    %broadcast_in_dim3A_30 = arith.constant 4194304 : i32
    %broadcast_in_dim3A_31 = vector.broadcast %broadcast_in_dim3A_30 : i32 to vector<16xi32>
    %scan3A_32 = arith.constant 0 : i32
    %scan3A_33 = arith.constant 22 : i32
    %scan3A_34 = arith.addi %scan3A_32, %scan3A_33 : i32
    %scan3A_35 = arith.constant 1 : i32
    %scan3A_36:2 = scf.for %scan3A_43 = %scan3A_32 to %scan3A_34 step %scan3A_35 iter_args(%scan3A_44 = %broadcast_in_dim3A_29, %scan3A_45 = %broadcast_in_dim3A_31) -> (vector<16xi32>, vector<16xi32>)  : i32 {
      %add3A_46 = arith.addi %scan3A_44, %scan3A_45 : vector<16xi32>
      %jit3A = arith.constant 2 : i32
      %div3A = vector.broadcast %jit3A : i32 to vector<16xi32>
      %div3A_47 = arith.divsi %add3A_46, %div3A : vector<16xi32>
      %sign3A = arith.constant 0 : i32
      %sign3A_48 = vector.broadcast %sign3A : i32 to vector<16xi32>
      %sign3A_49 = arith.cmpi sgt, %add3A_46, %sign3A_48 : vector<16xi32>
      %sign3A_50 = arith.extui %sign3A_49 : vector<16xi1> to vector<16xi32>
      %sign3A_51 = arith.constant 0 : i32
      %sign3A_52 = vector.broadcast %sign3A_51 : i32 to vector<16xi32>
      %sign3A_53 = arith.cmpi slt, %add3A_46, %sign3A_52 : vector<16xi32>
      %sign3A_54 = arith.extui %sign3A_53 : vector<16xi1> to vector<16xi32>
      %sign3A_55 = arith.subi %sign3A_50, %sign3A_54 : vector<16xi32>
      %sign3A_56 = arith.constant 0 : i32
      %sign3A_57 = arith.cmpi sgt, %jit3A, %sign3A_56 : i32
      %sign3A_58 = arith.extui %sign3A_57 : i1 to i32
      %sign3A_59 = arith.constant 0 : i32
      %sign3A_60 = arith.cmpi slt, %jit3A, %sign3A_59 : i32
      %sign3A_61 = arith.extui %sign3A_60 : i1 to i32
      %sign3A_62 = arith.subi %sign3A_58, %sign3A_61 : i32
      %ne3A = vector.broadcast %sign3A_62 : i32 to vector<16xi32>
      %ne3A_63 = arith.cmpi ne, %sign3A_55, %ne3A : vector<16xi32>
      %rem3A = vector.broadcast %jit3A : i32 to vector<16xi32>
      %rem3A_64 = arith.remsi %add3A_46, %rem3A : vector<16xi32>
      %ne3A_65 = arith.constant 0 : i32
      %ne3A_66 = vector.broadcast %ne3A_65 : i32 to vector<16xi32>
      %ne3A_67 = arith.cmpi ne, %rem3A_64, %ne3A_66 : vector<16xi32>
      %and3A = arith.andi %ne3A_63, %ne3A_67 : vector<16xi1>
      %sub3A = arith.constant 1 : i32
      %sub3A_68 = vector.broadcast %sub3A : i32 to vector<16xi32>
      %sub3A_69 = arith.subi %div3A_47, %sub3A_68 : vector<16xi32>
      %select_n3A = arith.select %and3A, %sub3A_69, %div3A_47 : vector<16xi1>, vector<16xi32>
      %dma_start3A = arith.constant 0 : i32
      %dma_start3A_70 = tpu.memref_slice %arg2[%dma_start3A] : memref<4194304xi32, #tpu.memory_space<hbm>> -> memref<4194304xi32, #tpu.memory_space<hbm>>
      tpu.enqueue_indirect_dma source(%dma_start3A_70 : memref<4194304xi32, #tpu.memory_space<hbm>>) target(%arg8 : memref<16xi32, #tpu.memory_space<vmem>>) offsets(%select_n3A : vector<16xi32>) semaphore(%arg9 : memref<!tpu.dma_semaphore, #tpu.memory_space<semaphore_mem>>)
      %dma_wait3A = arith.constant 0 : i32
      %dma_wait3A_71 = tpu.memref_slice %arg2[%dma_wait3A] : memref<4194304xi32, #tpu.memory_space<hbm>> -> memref<4194304xi32, #tpu.memory_space<hbm>>
      tpu.wait_indirect_dma semaphore(%arg9 : memref<!tpu.dma_semaphore, #tpu.memory_space<semaphore_mem>>) src(%dma_wait3A_71 : memref<4194304xi32, #tpu.memory_space<hbm>>) dst(%arg8 : memref<16xi32, #tpu.memory_space<vmem>>)
      %get3A = arith.constant 0 : index
      %get3A_72 = tpu.vector_load %arg8[%get3A] {strides = array<i32>} : memref<16xi32, #tpu.memory_space<vmem>>, vector<16xi32>,
      %lt3A = arith.cmpi slt, %get3A_72, %mul3A_27 : vector<16xi32>
      %add3A_73 = arith.constant 1 : i32
      %add3A_74 = vector.broadcast %add3A_73 : i32 to vector<16xi32>
      %add3A_75 = arith.addi %select_n3A, %add3A_74 : vector<16xi32>
      %select_n3A_76 = arith.select %lt3A, %add3A_75, %scan3A_44 : vector<16xi1>, vector<16xi32>
      %select_n3A_77 = arith.select %lt3A, %scan3A_45, %select_n3A : vector<16xi1>, vector<16xi32>
      scf.yield %select_n3A_76, %select_n3A_77 : vector<16xi32>, vector<16xi32>
    }
    %scan3A_37 = arith.constant 22 : i32
    %scan3A_38 = arith.constant 0 : i32
    %scan3A_39 = arith.constant 16 : i32
    %scan3A_40 = arith.addi %scan3A_38, %scan3A_39 : i32
    %scan3A_41 = arith.constant 1 : i32
    scf.for %scan3A_43 = %scan3A_38 to %scan3A_40 step %scan3A_41  : i32 {
      %mul3A_44 = arith.constant 16 : i32
      %mul3A_45 = arith.muli %add3A, %mul3A_44 : i32
      %add3A_46 = arith.addi %mul3A_45, %scan3A_43 : i32
      %jit3A = arith.constant 2 : i32
      %div3A = arith.divsi %add3A_46, %jit3A : i32
      %sign3A = arith.constant 0 : i32
      %sign3A_47 = arith.cmpi sgt, %add3A_46, %sign3A : i32
      %sign3A_48 = arith.extui %sign3A_47 : i1 to i32
      %sign3A_49 = arith.constant 0 : i32
      %sign3A_50 = arith.cmpi slt, %add3A_46, %sign3A_49 : i32
      %sign3A_51 = arith.extui %sign3A_50 : i1 to i32
      %sign3A_52 = arith.subi %sign3A_48, %sign3A_51 : i32
      %sign3A_53 = arith.constant 0 : i32
      %sign3A_54 = arith.cmpi sgt, %jit3A, %sign3A_53 : i32
      %sign3A_55 = arith.extui %sign3A_54 : i1 to i32
      %sign3A_56 = arith.constant 0 : i32
      %sign3A_57 = arith.cmpi slt, %jit3A, %sign3A_56 : i32
      %sign3A_58 = arith.extui %sign3A_57 : i1 to i32
      %sign3A_59 = arith.subi %sign3A_55, %sign3A_58 : i32
      %ne3A = arith.cmpi ne, %sign3A_52, %sign3A_59 : i32
      %rem3A = arith.remsi %add3A_46, %jit3A : i32
      %ne3A_60 = arith.constant 0 : i32
      %ne3A_61 = arith.cmpi ne, %rem3A, %ne3A_60 : i32
      %and3A = arith.andi %ne3A, %ne3A_61 : i1
      %sub3A = arith.constant 1 : i32
      %sub3A_62 = arith.subi %div3A, %sub3A : i32
      %select_n3A = arith.select %and3A, %sub3A_62, %div3A : i32
      %jit3A_63 = arith.constant 2 : i32
      %eq3A = arith.constant 0 : i32
      %eq3A_64 = arith.cmpi eq, %jit3A_63, %eq3A : i32
      %jit3A_65 = arith.constant 1 : i32
      %select_n3A_66 = arith.select %eq3A_64, %jit3A_65, %jit3A_63 : i32
      %rem3A_67 = arith.remsi %add3A_46, %select_n3A_66 : i32
      %ne3A_68 = arith.constant 0 : i32
      %ne3A_69 = arith.cmpi ne, %rem3A_67, %ne3A_68 : i32
      %lt3A = arith.constant 0 : i32
      %lt3A_70 = arith.cmpi slt, %rem3A_67, %lt3A : i32
      %lt3A_71 = arith.constant 0 : i32
      %lt3A_72 = arith.cmpi slt, %select_n3A_66, %lt3A_71 : i32
      %ne3A_73 = arith.xori %lt3A_70, %lt3A_72 : i1
      %and3A_74 = arith.andi %ne3A_73, %ne3A_69 : i1
      %add3A_75 = arith.addi %rem3A_67, %select_n3A_66 : i32
      %select_n3A_76 = arith.select %and3A_74, %add3A_75, %rem3A_67 : i32
      %mul3A_77 = arith.constant 65536 : i32
      %mul3A_78 = arith.muli %select_n3A_76, %mul3A_77 : i32
      %mul3A_79 = arith.constant 65536 : i32
      %mul3A_80 = arith.muli %add3A_46, %mul3A_79 : i32
      %eq3A_81 = vector.broadcast %scan3A_43 : i32 to vector<16xi32>
      %eq3A_82 = arith.cmpi eq, %iota3A, %eq3A_81 : vector<16xi32>
      %jit3A_83 = arith.constant -2147483648 : i32
      %broadcast_in_dim3A_84 = vector.broadcast %jit3A_83 : i32 to vector<16xi32>
      %select_n3A_85 = arith.select %eq3A_82, %scan3A_16#0, %broadcast_in_dim3A_84 : vector<16xi1>, vector<16xi32>
      %reduce_max3A = arith.constant true
      %reduce_max3A_86 = vector.broadcast %reduce_max3A : i1 to vector<16xi1>
      %reduce_max3A_87 = arith.constant -2147483648 : i32
      %reduce_max3A_88 = vector.broadcast %reduce_max3A_87 : i32 to vector<16xi32>
      %reduce_max3A_89 = arith.xori %select_n3A_85, %reduce_max3A_88 : vector<16xi32>
      %reduce_max3A_90 = tpu.scan <max>, %reduce_max3A_89 masked %reduce_max3A_86 : vector<16xi32>, vector<16xi1> -> vector<16xi32>
      %reduce_max3A_91 = arith.xori %reduce_max3A_90, %reduce_max3A_88 : vector<16xi32>
      %reduce_max3A_92 = vector.extract %reduce_max3A_91[15] : i32 from vector<16xi32>
      %eq3A_93 = vector.broadcast %scan3A_43 : i32 to vector<16xi32>
      %eq3A_94 = arith.cmpi eq, %iota3A, %eq3A_93 : vector<16xi32>
      %jit3A_95 = arith.constant -2147483648 : i32
      %broadcast_in_dim3A_96 = vector.broadcast %jit3A_95 : i32 to vector<16xi32>
      %select_n3A_97 = arith.select %eq3A_94, %scan3A_36#0, %broadcast_in_dim3A_96 : vector<16xi1>, vector<16xi32>
      %reduce_max3A_98 = arith.constant true
      %reduce_max3A_99 = vector.broadcast %reduce_max3A_98 : i1 to vector<16xi1>
      %reduce_max3A_100 = arith.constant -2147483648 : i32
      %reduce_max3A_101 = vector.broadcast %reduce_max3A_100 : i32 to vector<16xi32>
      %reduce_max3A_102 = arith.xori %select_n3A_97, %reduce_max3A_101 : vector<16xi32>
      %reduce_max3A_103 = tpu.scan <max>, %reduce_max3A_102 masked %reduce_max3A_99 : vector<16xi32>, vector<16xi1> -> vector<16xi32>
      %reduce_max3A_104 = arith.xori %reduce_max3A_103, %reduce_max3A_101 : vector<16xi32>
      %reduce_max3A_105 = vector.extract %reduce_max3A_104[15] : i32 from vector<16xi32>
      %jit3A_106 = arith.constant 16 : i32
      %div3A_107 = arith.divsi %reduce_max3A_92, %jit3A_106 : i32
      %sign3A_108 = arith.constant 0 : i32
      %sign3A_109 = arith.cmpi sgt, %reduce_max3A_92, %sign3A_108 : i32
      %sign3A_110 = arith.extui %sign3A_109 : i1 to i32
      %sign3A_111 = arith.constant 0 : i32
      %sign3A_112 = arith.cmpi slt, %reduce_max3A_92, %sign3A_111 : i32
      %sign3A_113 = arith.extui %sign3A_112 : i1 to i32
      %sign3A_114 = arith.subi %sign3A_110, %sign3A_113 : i32
      %sign3A_115 = arith.constant 0 : i32
      %sign3A_116 = arith.cmpi sgt, %jit3A_106, %sign3A_115 : i32
      %sign3A_117 = arith.extui %sign3A_116 : i1 to i32
      %sign3A_118 = arith.constant 0 : i32
      %sign3A_119 = arith.cmpi slt, %jit3A_106, %sign3A_118 : i32
      %sign3A_120 = arith.extui %sign3A_119 : i1 to i32
      %sign3A_121 = arith.subi %sign3A_117, %sign3A_120 : i32
      %ne3A_122 = arith.cmpi ne, %sign3A_114, %sign3A_121 : i32
      %rem3A_123 = arith.remsi %reduce_max3A_92, %jit3A_106 : i32
      %ne3A_124 = arith.constant 0 : i32
      %ne3A_125 = arith.cmpi ne, %rem3A_123, %ne3A_124 : i32
      %and3A_126 = arith.andi %ne3A_122, %ne3A_125 : i1
      %sub3A_127 = arith.constant 1 : i32
      %sub3A_128 = arith.subi %div3A_107, %sub3A_127 : i32
      %select_n3A_129 = arith.select %and3A_126, %sub3A_128, %div3A_107 : i32
      %mul3A_130 = arith.constant 16 : i32
      %mul3A_131 = arith.muli %select_n3A_129, %mul3A_130 : i32
      %min3A = arith.constant 4177664 : i32
      %min3A_132 = arith.minsi %mul3A_131, %min3A : i32
      %sub3A_133 = arith.subi %reduce_max3A_105, %min3A_132 : i32
      %add3A_134 = arith.constant 127 : i32
      %add3A_135 = arith.addi %sub3A_133, %add3A_134 : i32
      %jit3A_136 = arith.constant 128 : i32
      %div3A_137 = arith.divsi %add3A_135, %jit3A_136 : i32
      %sign3A_138 = arith.constant 0 : i32
      %sign3A_139 = arith.cmpi sgt, %add3A_135, %sign3A_138 : i32
      %sign3A_140 = arith.extui %sign3A_139 : i1 to i32
      %sign3A_141 = arith.constant 0 : i32
      %sign3A_142 = arith.cmpi slt, %add3A_135, %sign3A_141 : i32
      %sign3A_143 = arith.extui %sign3A_142 : i1 to i32
      %sign3A_144 = arith.subi %sign3A_140, %sign3A_143 : i32
      %sign3A_145 = arith.constant 0 : i32
      %sign3A_146 = arith.cmpi sgt, %jit3A_136, %sign3A_145 : i32
      %sign3A_147 = arith.extui %sign3A_146 : i1 to i32
      %sign3A_148 = arith.constant 0 : i32
      %sign3A_149 = arith.cmpi slt, %jit3A_136, %sign3A_148 : i32
      %sign3A_150 = arith.extui %sign3A_149 : i1 to i32
      %sign3A_151 = arith.subi %sign3A_147, %sign3A_150 : i32
      %ne3A_152 = arith.cmpi ne, %sign3A_144, %sign3A_151 : i32
      %rem3A_153 = arith.remsi %add3A_135, %jit3A_136 : i32
      %ne3A_154 = arith.constant 0 : i32
      %ne3A_155 = arith.cmpi ne, %rem3A_153, %ne3A_154 : i32
      %and3A_156 = arith.andi %ne3A_152, %ne3A_155 : i1
      %sub3A_157 = arith.constant 1 : i32
      %sub3A_158 = arith.subi %div3A_137, %sub3A_157 : i32
      %select_n3A_159 = arith.select %and3A_156, %sub3A_158, %div3A_137 : i32
      %dma_start3A = tpu.memref_slice %arg2[%min3A_132] : memref<4194304xi32, #tpu.memory_space<hbm>> -> memref<16640xi32, #tpu.memory_space<hbm>>
      %dma_start3A_160 = tpu.memref_slice %arg2[%min3A_132] : memref<4194304xi32, #tpu.memory_space<hbm>> -> memref<16640xi32, #tpu.memory_space<hbm>>
      tpu.enqueue_dma source(%dma_start3A_160 : memref<16640xi32, #tpu.memory_space<hbm>>) target(%arg5 : memref<16640xi32, #tpu.memory_space<vmem>>) target_semaphore(%arg9 : memref<!tpu.dma_semaphore, #tpu.memory_space<semaphore_mem>>)
      %dma_start3A_161 = tpu.memref_slice %arg3[%min3A_132] : memref<4194304xf32, #tpu.memory_space<hbm>> -> memref<16640xf32, #tpu.memory_space<hbm>>
      %dma_start3A_162 = tpu.memref_slice %arg3[%min3A_132] : memref<4194304xf32, #tpu.memory_space<hbm>> -> memref<16640xf32, #tpu.memory_space<hbm>>
      tpu.enqueue_dma source(%dma_start3A_162 : memref<16640xf32, #tpu.memory_space<hbm>>) target(%arg6 : memref<16640xf32, #tpu.memory_space<vmem>>) target_semaphore(%arg9 : memref<!tpu.dma_semaphore, #tpu.memory_space<semaphore_mem>>)
      %scan3A_163 = arith.constant 0 : i32
      %scan3A_164 = arith.constant 512 : i32
      %scan3A_165 = arith.addi %scan3A_163, %scan3A_164 : i32
      %scan3A_166 = arith.constant 1 : i32
      scf.for %scan3A_179 = %scan3A_163 to %scan3A_165 step %scan3A_166  : i32 {
        %mul3A_180 = arith.constant 8 : i32
        %mul3A_181 = arith.muli %scan3A_179, %mul3A_180 : i32
        %add3A_182 = arith.constant 0 : i32
        %add3A_183 = arith.addi %mul3A_181, %add3A_182 : i32
        %mul3A_184 = arith.constant 16 : i32
        %mul3A_185 = arith.muli %add3A_183, %mul3A_184 : i32
        %swap3A = arith.index_cast %mul3A_185 : i32 to index
        %swap3A_186 = tpu.vector_load %arg7[%swap3A] {strides = array<i32>} : memref<65536xf32, #tpu.memory_space<vmem>>, vector<16xf32>,
        tpu.vector_store %arg7[%swap3A], %broadcast_in_dim3A_1 {strides = array<i32>} : memref<65536xf32, #tpu.memory_space<vmem>>, vector<16xf32>,
        %mul3A_187 = arith.constant 8 : i32
        %mul3A_188 = arith.muli %scan3A_179, %mul3A_187 : i32
        %add3A_189 = arith.constant 1 : i32
        %add3A_190 = arith.addi %mul3A_188, %add3A_189 : i32
        %mul3A_191 = arith.constant 16 : i32
        %mul3A_192 = arith.muli %add3A_190, %mul3A_191 : i32
        %swap3A_193 = arith.index_cast %mul3A_192 : i32 to index
        %swap3A_194 = tpu.vector_load %arg7[%swap3A_193] {strides = array<i32>} : memref<65536xf32, #tpu.memory_space<vmem>>, vector<16xf32>,
        tpu.vector_store %arg7[%swap3A_193], %broadcast_in_dim3A_1 {strides = array<i32>} : memref<65536xf32, #tpu.memory_space<vmem>>, vector<16xf32>,
        %mul3A_195 = arith.constant 8 : i32
        %mul3A_196 = arith.muli %scan3A_179, %mul3A_195 : i32
        %add3A_197 = arith.constant 2 : i32
        %add3A_198 = arith.addi %mul3A_196, %add3A_197 : i32
        %mul3A_199 = arith.constant 16 : i32
        %mul3A_200 = arith.muli %add3A_198, %mul3A_199 : i32
        %swap3A_201 = arith.index_cast %mul3A_200 : i32 to index
        %swap3A_202 = tpu.vector_load %arg7[%swap3A_201] {strides = array<i32>} : memref<65536xf32, #tpu.memory_space<vmem>>, vector<16xf32>,
        tpu.vector_store %arg7[%swap3A_201], %broadcast_in_dim3A_1 {strides = array<i32>} : memref<65536xf32, #tpu.memory_space<vmem>>, vector<16xf32>,
        %mul3A_203 = arith.constant 8 : i32
        %mul3A_204 = arith.muli %scan3A_179, %mul3A_203 : i32
        %add3A_205 = arith.constant 3 : i32
        %add3A_206 = arith.addi %mul3A_204, %add3A_205 : i32
        %mul3A_207 = arith.constant 16 : i32
        %mul3A_208 = arith.muli %add3A_206, %mul3A_207 : i32
        %swap3A_209 = arith.index_cast %mul3A_208 : i32 to index
        %swap3A_210 = tpu.vector_load %arg7[%swap3A_209] {strides = array<i32>} : memref<65536xf32, #tpu.memory_space<vmem>>, vector<16xf32>,
        tpu.vector_store %arg7[%swap3A_209], %broadcast_in_dim3A_1 {strides = array<i32>} : memref<65536xf32, #tpu.memory_space<vmem>>, vector<16xf32>,
        %mul3A_211 = arith.constant 8 : i32
        %mul3A_212 = arith.muli %scan3A_179, %mul3A_211 : i32
        %add3A_213 = arith.constant 4 : i32
        %add3A_214 = arith.addi %mul3A_212, %add3A_213 : i32
        %mul3A_215 = arith.constant 16 : i32
        %mul3A_216 = arith.muli %add3A_214, %mul3A_215 : i32
        %swap3A_217 = arith.index_cast %mul3A_216 : i32 to index
        %swap3A_218 = tpu.vector_load %arg7[%swap3A_217] {strides = array<i32>} : memref<65536xf32, #tpu.memory_space<vmem>>, vector<16xf32>,
        tpu.vector_store %arg7[%swap3A_217], %broadcast_in_dim3A_1 {strides = array<i32>} : memref<65536xf32, #tpu.memory_space<vmem>>, vector<16xf32>,
        %mul3A_219 = arith.constant 8 : i32
        %mul3A_220 = arith.muli %scan3A_179, %mul3A_219 : i32
        %add3A_221 = arith.constant 5 : i32
        %add3A_222 = arith.addi %mul3A_220, %add3A_221 : i32
        %mul3A_223 = arith.constant 16 : i32
        %mul3A_224 = arith.muli %add3A_222, %mul3A_223 : i32
        %swap3A_225 = arith.index_cast %mul3A_224 : i32 to index
        %swap3A_226 = tpu.vector_load %arg7[%swap3A_225] {strides = array<i32>} : memref<65536xf32, #tpu.memory_space<vmem>>, vector<16xf32>,
        tpu.vector_store %arg7[%swap3A_225], %broadcast_in_dim3A_1 {strides = array<i32>} : memref<65536xf32, #tpu.memory_space<vmem>>, vector<16xf32>,
        %mul3A_227 = arith.constant 8 : i32
        %mul3A_228 = arith.muli %scan3A_179, %mul3A_227 : i32
        %add3A_229 = arith.constant 6 : i32
        %add3A_230 = arith.addi %mul3A_228, %add3A_229 : i32
        %mul3A_231 = arith.constant 16 : i32
        %mul3A_232 = arith.muli %add3A_230, %mul3A_231 : i32
        %swap3A_233 = arith.index_cast %mul3A_232 : i32 to index
        %swap3A_234 = tpu.vector_load %arg7[%swap3A_233] {strides = array<i32>} : memref<65536xf32, #tpu.memory_space<vmem>>, vector<16xf32>,
        tpu.vector_store %arg7[%swap3A_233], %broadcast_in_dim3A_1 {strides = array<i32>} : memref<65536xf32, #tpu.memory_space<vmem>>, vector<16xf32>,
        %mul3A_235 = arith.constant 8 : i32
        %mul3A_236 = arith.muli %scan3A_179, %mul3A_235 : i32
        %add3A_237 = arith.constant 7 : i32
        %add3A_238 = arith.addi %mul3A_236, %add3A_237 : i32
        %mul3A_239 = arith.constant 16 : i32
        %mul3A_240 = arith.muli %add3A_238, %mul3A_239 : i32
        %swap3A_241 = arith.index_cast %mul3A_240 : i32 to index
        %swap3A_242 = tpu.vector_load %arg7[%swap3A_241] {strides = array<i32>} : memref<65536xf32, #tpu.memory_space<vmem>>, vector<16xf32>,
        tpu.vector_store %arg7[%swap3A_241], %broadcast_in_dim3A_1 {strides = array<i32>} : memref<65536xf32, #tpu.memory_space<vmem>>, vector<16xf32>,
      }
      %scan3A_167 = arith.constant 512 : i32
      %dma_wait3A = tpu.memref_slice %arg2[%min3A_132] : memref<4194304xi32, #tpu.memory_space<hbm>> -> memref<16640xi32, #tpu.memory_space<hbm>>
      %dma_wait3A_168 = tpu.memref_slice %arg2[%min3A_132] : memref<4194304xi32, #tpu.memory_space<hbm>> -> memref<16640xi32, #tpu.memory_space<hbm>>
      tpu.wait_dma2 semaphore(%arg9 : memref<!tpu.dma_semaphore, #tpu.memory_space<semaphore_mem>>) src(%dma_wait3A_168 : memref<16640xi32, #tpu.memory_space<hbm>>) dst(%arg5 : memref<16640xi32, #tpu.memory_space<vmem>>)
      %dma_wait3A_169 = tpu.memref_slice %arg3[%min3A_132] : memref<4194304xf32, #tpu.memory_space<hbm>> -> memref<16640xf32, #tpu.memory_space<hbm>>
      %dma_wait3A_170 = tpu.memref_slice %arg3[%min3A_132] : memref<4194304xf32, #tpu.memory_space<hbm>> -> memref<16640xf32, #tpu.memory_space<hbm>>
      tpu.wait_dma2 semaphore(%arg9 : memref<!tpu.dma_semaphore, #tpu.memory_space<semaphore_mem>>) src(%dma_wait3A_170 : memref<16640xf32, #tpu.memory_space<hbm>>) dst(%arg6 : memref<16640xf32, #tpu.memory_space<vmem>>)
      %while3A = arith.constant 0 : i32
      %while3A_171 = arith.subi %select_n3A_159, %while3A : i32
      %while3A_172 = arith.addi %while3A, %while3A_171 : i32
      %while3A_173 = arith.constant 1 : i32
      %while3A_174 = arith.divsi %while3A_171, %while3A_173 : i32
      %while3A_175 = arith.muli %while3A_174, %while3A_173 : i32
      %while3A_176 = arith.addi %while3A, %while3A_175 : i32
      %while3A_177 = arith.constant 1 : i32
      scf.for %while3A_179 = %while3A to %while3A_176 step %while3A_177  : i32 {
        %mul3A_180 = arith.constant 8 : i32
        %mul3A_181 = arith.muli %while3A_179, %mul3A_180 : i32
        %add3A_182 = arith.constant 0 : i32
        %add3A_183 = arith.addi %mul3A_181, %add3A_182 : i32
        %mul3A_184 = arith.constant 16 : i32
        %mul3A_185 = arith.muli %add3A_183, %mul3A_184 : i32
        %get3A = arith.index_cast %mul3A_185 : i32 to index
        %get3A_186 = tpu.vector_load %arg5[%get3A] {strides = array<i32>} : memref<16640xi32, #tpu.memory_space<vmem>>, vector<16xi32>,
        %get3A_187 = arith.index_cast %mul3A_185 : i32 to index
        %get3A_188 = tpu.vector_load %arg6[%get3A_187] {strides = array<i32>} : memref<16640xf32, #tpu.memory_space<vmem>>, vector<16xf32>,
        %sub3A_189 = vector.broadcast %mul3A_80 : i32 to vector<16xi32>
        %sub3A_190 = arith.subi %get3A_186, %sub3A_189 : vector<16xi32>
        %ge3A = arith.constant 0 : i32
        %ge3A_191 = vector.broadcast %ge3A : i32 to vector<16xi32>
        %ge3A_192 = arith.cmpi sge, %sub3A_190, %ge3A_191 : vector<16xi32>
        %lt3A_193 = arith.constant 65536 : i32
        %lt3A_194 = vector.broadcast %lt3A_193 : i32 to vector<16xi32>
        %lt3A_195 = arith.cmpi slt, %sub3A_190, %lt3A_194 : vector<16xi32>
        %and3A_196 = arith.andi %ge3A_192, %lt3A_195 : vector<16xi1>
        %broadcast_in_dim3A_197 = arith.constant true
        %broadcast_in_dim3A_198 = vector.broadcast %broadcast_in_dim3A_197 : i1 to vector<16xi1>
        %unique3A, %unique3A_199 = tpu.scan_count mask(%broadcast_in_dim3A_198 : vector<16xi1>) value(%get3A_186 : vector<16xi32>) : vector<16xi1>, vector<16xi32>
        %and3A_200 = arith.andi %and3A_196, %unique3A : vector<16xi1>
        %jit3A_201 = arith.constant 0 : i32
        %broadcast_in_dim3A_202 = vector.broadcast %jit3A_201 : i32 to vector<16xi32>
        %select_n3A_203 = arith.select %and3A_200, %sub3A_190, %broadcast_in_dim3A_202 : vector<16xi1>, vector<16xi32>
        tpu.vector_store_idx %arg7[%select_n3A_203], %get3A_188 masked %and3A_200 : memref<65536xf32, #tpu.memory_space<vmem>>[vector<16xi32>], vector<16xf32>, vector<16xi1>
        %mul3A_204 = arith.constant 8 : i32
        %mul3A_205 = arith.muli %while3A_179, %mul3A_204 : i32
        %add3A_206 = arith.constant 1 : i32
        %add3A_207 = arith.addi %mul3A_205, %add3A_206 : i32
        %mul3A_208 = arith.constant 16 : i32
        %mul3A_209 = arith.muli %add3A_207, %mul3A_208 : i32
        %get3A_210 = arith.index_cast %mul3A_209 : i32 to index
        %get3A_211 = tpu.vector_load %arg5[%get3A_210] {strides = array<i32>} : memref<16640xi32, #tpu.memory_space<vmem>>, vector<16xi32>,
        %get3A_212 = arith.index_cast %mul3A_209 : i32 to index
        %get3A_213 = tpu.vector_load %arg6[%get3A_212] {strides = array<i32>} : memref<16640xf32, #tpu.memory_space<vmem>>, vector<16xf32>,
        %sub3A_214 = vector.broadcast %mul3A_80 : i32 to vector<16xi32>
        %sub3A_215 = arith.subi %get3A_211, %sub3A_214 : vector<16xi32>
        %ge3A_216 = arith.constant 0 : i32
        %ge3A_217 = vector.broadcast %ge3A_216 : i32 to vector<16xi32>
        %ge3A_218 = arith.cmpi sge, %sub3A_215, %ge3A_217 : vector<16xi32>
        %lt3A_219 = arith.constant 65536 : i32
        %lt3A_220 = vector.broadcast %lt3A_219 : i32 to vector<16xi32>
        %lt3A_221 = arith.cmpi slt, %sub3A_215, %lt3A_220 : vector<16xi32>
        %and3A_222 = arith.andi %ge3A_218, %lt3A_221 : vector<16xi1>
        %broadcast_in_dim3A_223 = arith.constant true
        %broadcast_in_dim3A_224 = vector.broadcast %broadcast_in_dim3A_223 : i1 to vector<16xi1>
        %unique3A_225, %unique3A_226 = tpu.scan_count mask(%broadcast_in_dim3A_224 : vector<16xi1>) value(%get3A_211 : vector<16xi32>) : vector<16xi1>, vector<16xi32>
        %and3A_227 = arith.andi %and3A_222, %unique3A_225 : vector<16xi1>
        %jit3A_228 = arith.constant 0 : i32
        %broadcast_in_dim3A_229 = vector.broadcast %jit3A_228 : i32 to vector<16xi32>
        %select_n3A_230 = arith.select %and3A_227, %sub3A_215, %broadcast_in_dim3A_229 : vector<16xi1>, vector<16xi32>
        tpu.vector_store_idx %arg7[%select_n3A_230], %get3A_213 masked %and3A_227 : memref<65536xf32, #tpu.memory_space<vmem>>[vector<16xi32>], vector<16xf32>, vector<16xi1>
        %mul3A_231 = arith.constant 8 : i32
        %mul3A_232 = arith.muli %while3A_179, %mul3A_231 : i32
        %add3A_233 = arith.constant 2 : i32
        %add3A_234 = arith.addi %mul3A_232, %add3A_233 : i32
        %mul3A_235 = arith.constant 16 : i32
        %mul3A_236 = arith.muli %add3A_234, %mul3A_235 : i32
        %get3A_237 = arith.index_cast %mul3A_236 : i32 to index
        %get3A_238 = tpu.vector_load %arg5[%get3A_237] {strides = array<i32>} : memref<16640xi32, #tpu.memory_space<vmem>>, vector<16xi32>,
        %get3A_239 = arith.index_cast %mul3A_236 : i32 to index
        %get3A_240 = tpu.vector_load %arg6[%get3A_239] {strides = array<i32>} : memref<16640xf32, #tpu.memory_space<vmem>>, vector<16xf32>,
        %sub3A_241 = vector.broadcast %mul3A_80 : i32 to vector<16xi32>
        %sub3A_242 = arith.subi %get3A_238, %sub3A_241 : vector<16xi32>
        %ge3A_243 = arith.constant 0 : i32
        %ge3A_244 = vector.broadcast %ge3A_243 : i32 to vector<16xi32>
        %ge3A_245 = arith.cmpi sge, %sub3A_242, %ge3A_244 : vector<16xi32>
        %lt3A_246 = arith.constant 65536 : i32
        %lt3A_247 = vector.broadcast %lt3A_246 : i32 to vector<16xi32>
        %lt3A_248 = arith.cmpi slt, %sub3A_242, %lt3A_247 : vector<16xi32>
        %and3A_249 = arith.andi %ge3A_245, %lt3A_248 : vector<16xi1>
        %broadcast_in_dim3A_250 = arith.constant true
        %broadcast_in_dim3A_251 = vector.broadcast %broadcast_in_dim3A_250 : i1 to vector<16xi1>
        %unique3A_252, %unique3A_253 = tpu.scan_count mask(%broadcast_in_dim3A_251 : vector<16xi1>) value(%get3A_238 : vector<16xi32>) : vector<16xi1>, vector<16xi32>
        %and3A_254 = arith.andi %and3A_249, %unique3A_252 : vector<16xi1>
        %jit3A_255 = arith.constant 0 : i32
        %broadcast_in_dim3A_256 = vector.broadcast %jit3A_255 : i32 to vector<16xi32>
        %select_n3A_257 = arith.select %and3A_254, %sub3A_242, %broadcast_in_dim3A_256 : vector<16xi1>, vector<16xi32>
        tpu.vector_store_idx %arg7[%select_n3A_257], %get3A_240 masked %and3A_254 : memref<65536xf32, #tpu.memory_space<vmem>>[vector<16xi32>], vector<16xf32>, vector<16xi1>
        %mul3A_258 = arith.constant 8 : i32
        %mul3A_259 = arith.muli %while3A_179, %mul3A_258 : i32
        %add3A_260 = arith.constant 3 : i32
        %add3A_261 = arith.addi %mul3A_259, %add3A_260 : i32
        %mul3A_262 = arith.constant 16 : i32
        %mul3A_263 = arith.muli %add3A_261, %mul3A_262 : i32
        %get3A_264 = arith.index_cast %mul3A_263 : i32 to index
        %get3A_265 = tpu.vector_load %arg5[%get3A_264] {strides = array<i32>} : memref<16640xi32, #tpu.memory_space<vmem>>, vector<16xi32>,
        %get3A_266 = arith.index_cast %mul3A_263 : i32 to index
        %get3A_267 = tpu.vector_load %arg6[%get3A_266] {strides = array<i32>} : memref<16640xf32, #tpu.memory_space<vmem>>, vector<16xf32>,
        %sub3A_268 = vector.broadcast %mul3A_80 : i32 to vector<16xi32>
        %sub3A_269 = arith.subi %get3A_265, %sub3A_268 : vector<16xi32>
        %ge3A_270 = arith.constant 0 : i32
        %ge3A_271 = vector.broadcast %ge3A_270 : i32 to vector<16xi32>
        %ge3A_272 = arith.cmpi sge, %sub3A_269, %ge3A_271 : vector<16xi32>
        %lt3A_273 = arith.constant 65536 : i32
        %lt3A_274 = vector.broadcast %lt3A_273 : i32 to vector<16xi32>
        %lt3A_275 = arith.cmpi slt, %sub3A_269, %lt3A_274 : vector<16xi32>
        %and3A_276 = arith.andi %ge3A_272, %lt3A_275 : vector<16xi1>
        %broadcast_in_dim3A_277 = arith.constant true
        %broadcast_in_dim3A_278 = vector.broadcast %broadcast_in_dim3A_277 : i1 to vector<16xi1>
        %unique3A_279, %unique3A_280 = tpu.scan_count mask(%broadcast_in_dim3A_278 : vector<16xi1>) value(%get3A_265 : vector<16xi32>) : vector<16xi1>, vector<16xi32>
        %and3A_281 = arith.andi %and3A_276, %unique3A_279 : vector<16xi1>
        %jit3A_282 = arith.constant 0 : i32
        %broadcast_in_dim3A_283 = vector.broadcast %jit3A_282 : i32 to vector<16xi32>
        %select_n3A_284 = arith.select %and3A_281, %sub3A_269, %broadcast_in_dim3A_283 : vector<16xi1>, vector<16xi32>
        tpu.vector_store_idx %arg7[%select_n3A_284], %get3A_267 masked %and3A_281 : memref<65536xf32, #tpu.memory_space<vmem>>[vector<16xi32>], vector<16xf32>, vector<16xi1>
        %mul3A_285 = arith.constant 8 : i32
        %mul3A_286 = arith.muli %while3A_179, %mul3A_285 : i32
        %add3A_287 = arith.constant 4 : i32
        %add3A_288 = arith.addi %mul3A_286, %add3A_287 : i32
        %mul3A_289 = arith.constant 16 : i32
        %mul3A_290 = arith.muli %add3A_288, %mul3A_289 : i32
        %get3A_291 = arith.index_cast %mul3A_290 : i32 to index
        %get3A_292 = tpu.vector_load %arg5[%get3A_291] {strides = array<i32>} : memref<16640xi32, #tpu.memory_space<vmem>>, vector<16xi32>,
        %get3A_293 = arith.index_cast %mul3A_290 : i32 to index
        %get3A_294 = tpu.vector_load %arg6[%get3A_293] {strides = array<i32>} : memref<16640xf32, #tpu.memory_space<vmem>>, vector<16xf32>,
        %sub3A_295 = vector.broadcast %mul3A_80 : i32 to vector<16xi32>
        %sub3A_296 = arith.subi %get3A_292, %sub3A_295 : vector<16xi32>
        %ge3A_297 = arith.constant 0 : i32
        %ge3A_298 = vector.broadcast %ge3A_297 : i32 to vector<16xi32>
        %ge3A_299 = arith.cmpi sge, %sub3A_296, %ge3A_298 : vector<16xi32>
        %lt3A_300 = arith.constant 65536 : i32
        %lt3A_301 = vector.broadcast %lt3A_300 : i32 to vector<16xi32>
        %lt3A_302 = arith.cmpi slt, %sub3A_296, %lt3A_301 : vector<16xi32>
        %and3A_303 = arith.andi %ge3A_299, %lt3A_302 : vector<16xi1>
        %broadcast_in_dim3A_304 = arith.constant true
        %broadcast_in_dim3A_305 = vector.broadcast %broadcast_in_dim3A_304 : i1 to vector<16xi1>
        %unique3A_306, %unique3A_307 = tpu.scan_count mask(%broadcast_in_dim3A_305 : vector<16xi1>) value(%get3A_292 : vector<16xi32>) : vector<16xi1>, vector<16xi32>
        %and3A_308 = arith.andi %and3A_303, %unique3A_306 : vector<16xi1>
        %jit3A_309 = arith.constant 0 : i32
        %broadcast_in_dim3A_310 = vector.broadcast %jit3A_309 : i32 to vector<16xi32>
        %select_n3A_311 = arith.select %and3A_308, %sub3A_296, %broadcast_in_dim3A_310 : vector<16xi1>, vector<16xi32>
        tpu.vector_store_idx %arg7[%select_n3A_311], %get3A_294 masked %and3A_308 : memref<65536xf32, #tpu.memory_space<vmem>>[vector<16xi32>], vector<16xf32>, vector<16xi1>
        %mul3A_312 = arith.constant 8 : i32
        %mul3A_313 = arith.muli %while3A_179, %mul3A_312 : i32
        %add3A_314 = arith.constant 5 : i32
        %add3A_315 = arith.addi %mul3A_313, %add3A_314 : i32
        %mul3A_316 = arith.constant 16 : i32
        %mul3A_317 = arith.muli %add3A_315, %mul3A_316 : i32
        %get3A_318 = arith.index_cast %mul3A_317 : i32 to index
        %get3A_319 = tpu.vector_load %arg5[%get3A_318] {strides = array<i32>} : memref<16640xi32, #tpu.memory_space<vmem>>, vector<16xi32>,
        %get3A_320 = arith.index_cast %mul3A_317 : i32 to index
        %get3A_321 = tpu.vector_load %arg6[%get3A_320] {strides = array<i32>} : memref<16640xf32, #tpu.memory_space<vmem>>, vector<16xf32>,
        %sub3A_322 = vector.broadcast %mul3A_80 : i32 to vector<16xi32>
        %sub3A_323 = arith.subi %get3A_319, %sub3A_322 : vector<16xi32>
        %ge3A_324 = arith.constant 0 : i32
        %ge3A_325 = vector.broadcast %ge3A_324 : i32 to vector<16xi32>
        %ge3A_326 = arith.cmpi sge, %sub3A_323, %ge3A_325 : vector<16xi32>
        %lt3A_327 = arith.constant 65536 : i32
        %lt3A_328 = vector.broadcast %lt3A_327 : i32 to vector<16xi32>
        %lt3A_329 = arith.cmpi slt, %sub3A_323, %lt3A_328 : vector<16xi32>
        %and3A_330 = arith.andi %ge3A_326, %lt3A_329 : vector<16xi1>
        %broadcast_in_dim3A_331 = arith.constant true
        %broadcast_in_dim3A_332 = vector.broadcast %broadcast_in_dim3A_331 : i1 to vector<16xi1>
        %unique3A_333, %unique3A_334 = tpu.scan_count mask(%broadcast_in_dim3A_332 : vector<16xi1>) value(%get3A_319 : vector<16xi32>) : vector<16xi1>, vector<16xi32>
        %and3A_335 = arith.andi %and3A_330, %unique3A_333 : vector<16xi1>
        %jit3A_336 = arith.constant 0 : i32
        %broadcast_in_dim3A_337 = vector.broadcast %jit3A_336 : i32 to vector<16xi32>
        %select_n3A_338 = arith.select %and3A_335, %sub3A_323, %broadcast_in_dim3A_337 : vector<16xi1>, vector<16xi32>
        tpu.vector_store_idx %arg7[%select_n3A_338], %get3A_321 masked %and3A_335 : memref<65536xf32, #tpu.memory_space<vmem>>[vector<16xi32>], vector<16xf32>, vector<16xi1>
        %mul3A_339 = arith.constant 8 : i32
        %mul3A_340 = arith.muli %while3A_179, %mul3A_339 : i32
        %add3A_341 = arith.constant 6 : i32
        %add3A_342 = arith.addi %mul3A_340, %add3A_341 : i32
        %mul3A_343 = arith.constant 16 : i32
        %mul3A_344 = arith.muli %add3A_342, %mul3A_343 : i32
        %get3A_345 = arith.index_cast %mul3A_344 : i32 to index
        %get3A_346 = tpu.vector_load %arg5[%get3A_345] {strides = array<i32>} : memref<16640xi32, #tpu.memory_space<vmem>>, vector<16xi32>,
        %get3A_347 = arith.index_cast %mul3A_344 : i32 to index
        %get3A_348 = tpu.vector_load %arg6[%get3A_347] {strides = array<i32>} : memref<16640xf32, #tpu.memory_space<vmem>>, vector<16xf32>,
        %sub3A_349 = vector.broadcast %mul3A_80 : i32 to vector<16xi32>
        %sub3A_350 = arith.subi %get3A_346, %sub3A_349 : vector<16xi32>
        %ge3A_351 = arith.constant 0 : i32
        %ge3A_352 = vector.broadcast %ge3A_351 : i32 to vector<16xi32>
        %ge3A_353 = arith.cmpi sge, %sub3A_350, %ge3A_352 : vector<16xi32>
        %lt3A_354 = arith.constant 65536 : i32
        %lt3A_355 = vector.broadcast %lt3A_354 : i32 to vector<16xi32>
        %lt3A_356 = arith.cmpi slt, %sub3A_350, %lt3A_355 : vector<16xi32>
        %and3A_357 = arith.andi %ge3A_353, %lt3A_356 : vector<16xi1>
        %broadcast_in_dim3A_358 = arith.constant true
        %broadcast_in_dim3A_359 = vector.broadcast %broadcast_in_dim3A_358 : i1 to vector<16xi1>
        %unique3A_360, %unique3A_361 = tpu.scan_count mask(%broadcast_in_dim3A_359 : vector<16xi1>) value(%get3A_346 : vector<16xi32>) : vector<16xi1>, vector<16xi32>
        %and3A_362 = arith.andi %and3A_357, %unique3A_360 : vector<16xi1>
        %jit3A_363 = arith.constant 0 : i32
        %broadcast_in_dim3A_364 = vector.broadcast %jit3A_363 : i32 to vector<16xi32>
        %select_n3A_365 = arith.select %and3A_362, %sub3A_350, %broadcast_in_dim3A_364 : vector<16xi1>, vector<16xi32>
        tpu.vector_store_idx %arg7[%select_n3A_365], %get3A_348 masked %and3A_362 : memref<65536xf32, #tpu.memory_space<vmem>>[vector<16xi32>], vector<16xf32>, vector<16xi1>
        %mul3A_366 = arith.constant 8 : i32
        %mul3A_367 = arith.muli %while3A_179, %mul3A_366 : i32
        %add3A_368 = arith.constant 7 : i32
        %add3A_369 = arith.addi %mul3A_367, %add3A_368 : i32
        %mul3A_370 = arith.constant 16 : i32
        %mul3A_371 = arith.muli %add3A_369, %mul3A_370 : i32
        %get3A_372 = arith.index_cast %mul3A_371 : i32 to index
        %get3A_373 = tpu.vector_load %arg5[%get3A_372] {strides = array<i32>} : memref<16640xi32, #tpu.memory_space<vmem>>, vector<16xi32>,
        %get3A_374 = arith.index_cast %mul3A_371 : i32 to index
        %get3A_375 = tpu.vector_load %arg6[%get3A_374] {strides = array<i32>} : memref<16640xf32, #tpu.memory_space<vmem>>, vector<16xf32>,
        %sub3A_376 = vector.broadcast %mul3A_80 : i32 to vector<16xi32>
        %sub3A_377 = arith.subi %get3A_373, %sub3A_376 : vector<16xi32>
        %ge3A_378 = arith.constant 0 : i32
        %ge3A_379 = vector.broadcast %ge3A_378 : i32 to vector<16xi32>
        %ge3A_380 = arith.cmpi sge, %sub3A_377, %ge3A_379 : vector<16xi32>
        %lt3A_381 = arith.constant 65536 : i32
        %lt3A_382 = vector.broadcast %lt3A_381 : i32 to vector<16xi32>
        %lt3A_383 = arith.cmpi slt, %sub3A_377, %lt3A_382 : vector<16xi32>
        %and3A_384 = arith.andi %ge3A_380, %lt3A_383 : vector<16xi1>
        %broadcast_in_dim3A_385 = arith.constant true
        %broadcast_in_dim3A_386 = vector.broadcast %broadcast_in_dim3A_385 : i1 to vector<16xi1>
        %unique3A_387, %unique3A_388 = tpu.scan_count mask(%broadcast_in_dim3A_386 : vector<16xi1>) value(%get3A_373 : vector<16xi32>) : vector<16xi1>, vector<16xi32>
        %and3A_389 = arith.andi %and3A_384, %unique3A_387 : vector<16xi1>
        %jit3A_390 = arith.constant 0 : i32
        %broadcast_in_dim3A_391 = vector.broadcast %jit3A_390 : i32 to vector<16xi32>
        %select_n3A_392 = arith.select %and3A_389, %sub3A_377, %broadcast_in_dim3A_391 : vector<16xi1>, vector<16xi32>
        tpu.vector_store_idx %arg7[%select_n3A_392], %get3A_375 masked %and3A_389 : memref<65536xf32, #tpu.memory_space<vmem>>[vector<16xi32>], vector<16xf32>, vector<16xi1>
      }
      %while3A_178 = arith.constant 1 : i32
      scf.for %while3A_179 = %while3A_176 to %while3A_172 step %while3A_178  : i32 {
        %mul3A_180 = arith.constant 8 : i32
        %mul3A_181 = arith.muli %while3A_179, %mul3A_180 : i32
        %add3A_182 = arith.constant 0 : i32
        %add3A_183 = arith.addi %mul3A_181, %add3A_182 : i32
        %mul3A_184 = arith.constant 16 : i32
        %mul3A_185 = arith.muli %add3A_183, %mul3A_184 : i32
        %get3A = arith.index_cast %mul3A_185 : i32 to index
        %get3A_186 = tpu.vector_load %arg5[%get3A] {strides = array<i32>} : memref<16640xi32, #tpu.memory_space<vmem>>, vector<16xi32>,
        %get3A_187 = arith.index_cast %mul3A_185 : i32 to index
        %get3A_188 = tpu.vector_load %arg6[%get3A_187] {strides = array<i32>} : memref<16640xf32, #tpu.memory_space<vmem>>, vector<16xf32>,
        %sub3A_189 = vector.broadcast %mul3A_80 : i32 to vector<16xi32>
        %sub3A_190 = arith.subi %get3A_186, %sub3A_189 : vector<16xi32>
        %ge3A = arith.constant 0 : i32
        %ge3A_191 = vector.broadcast %ge3A : i32 to vector<16xi32>
        %ge3A_192 = arith.cmpi sge, %sub3A_190, %ge3A_191 : vector<16xi32>
        %lt3A_193 = arith.constant 65536 : i32
        %lt3A_194 = vector.broadcast %lt3A_193 : i32 to vector<16xi32>
        %lt3A_195 = arith.cmpi slt, %sub3A_190, %lt3A_194 : vector<16xi32>
        %and3A_196 = arith.andi %ge3A_192, %lt3A_195 : vector<16xi1>
        %broadcast_in_dim3A_197 = arith.constant true
        %broadcast_in_dim3A_198 = vector.broadcast %broadcast_in_dim3A_197 : i1 to vector<16xi1>
        %unique3A, %unique3A_199 = tpu.scan_count mask(%broadcast_in_dim3A_198 : vector<16xi1>) value(%get3A_186 : vector<16xi32>) : vector<16xi1>, vector<16xi32>
        %and3A_200 = arith.andi %and3A_196, %unique3A : vector<16xi1>
        %jit3A_201 = arith.constant 0 : i32
        %broadcast_in_dim3A_202 = vector.broadcast %jit3A_201 : i32 to vector<16xi32>
        %select_n3A_203 = arith.select %and3A_200, %sub3A_190, %broadcast_in_dim3A_202 : vector<16xi1>, vector<16xi32>
        tpu.vector_store_idx %arg7[%select_n3A_203], %get3A_188 masked %and3A_200 : memref<65536xf32, #tpu.memory_space<vmem>>[vector<16xi32>], vector<16xf32>, vector<16xi1>
        %mul3A_204 = arith.constant 8 : i32
        %mul3A_205 = arith.muli %while3A_179, %mul3A_204 : i32
        %add3A_206 = arith.constant 1 : i32
        %add3A_207 = arith.addi %mul3A_205, %add3A_206 : i32
        %mul3A_208 = arith.constant 16 : i32
        %mul3A_209 = arith.muli %add3A_207, %mul3A_208 : i32
        %get3A_210 = arith.index_cast %mul3A_209 : i32 to index
        %get3A_211 = tpu.vector_load %arg5[%get3A_210] {strides = array<i32>} : memref<16640xi32, #tpu.memory_space<vmem>>, vector<16xi32>,
        %get3A_212 = arith.index_cast %mul3A_209 : i32 to index
        %get3A_213 = tpu.vector_load %arg6[%get3A_212] {strides = array<i32>} : memref<16640xf32, #tpu.memory_space<vmem>>, vector<16xf32>,
        %sub3A_214 = vector.broadcast %mul3A_80 : i32 to vector<16xi32>
        %sub3A_215 = arith.subi %get3A_211, %sub3A_214 : vector<16xi32>
        %ge3A_216 = arith.constant 0 : i32
        %ge3A_217 = vector.broadcast %ge3A_216 : i32 to vector<16xi32>
        %ge3A_218 = arith.cmpi sge, %sub3A_215, %ge3A_217 : vector<16xi32>
        %lt3A_219 = arith.constant 65536 : i32
        %lt3A_220 = vector.broadcast %lt3A_219 : i32 to vector<16xi32>
        %lt3A_221 = arith.cmpi slt, %sub3A_215, %lt3A_220 : vector<16xi32>
        %and3A_222 = arith.andi %ge3A_218, %lt3A_221 : vector<16xi1>
        %broadcast_in_dim3A_223 = arith.constant true
        %broadcast_in_dim3A_224 = vector.broadcast %broadcast_in_dim3A_223 : i1 to vector<16xi1>
        %unique3A_225, %unique3A_226 = tpu.scan_count mask(%broadcast_in_dim3A_224 : vector<16xi1>) value(%get3A_211 : vector<16xi32>) : vector<16xi1>, vector<16xi32>
        %and3A_227 = arith.andi %and3A_222, %unique3A_225 : vector<16xi1>
        %jit3A_228 = arith.constant 0 : i32
        %broadcast_in_dim3A_229 = vector.broadcast %jit3A_228 : i32 to vector<16xi32>
        %select_n3A_230 = arith.select %and3A_227, %sub3A_215, %broadcast_in_dim3A_229 : vector<16xi1>, vector<16xi32>
        tpu.vector_store_idx %arg7[%select_n3A_230], %get3A_213 masked %and3A_227 : memref<65536xf32, #tpu.memory_space<vmem>>[vector<16xi32>], vector<16xf32>, vector<16xi1>
        %mul3A_231 = arith.constant 8 : i32
        %mul3A_232 = arith.muli %while3A_179, %mul3A_231 : i32
        %add3A_233 = arith.constant 2 : i32
        %add3A_234 = arith.addi %mul3A_232, %add3A_233 : i32
        %mul3A_235 = arith.constant 16 : i32
        %mul3A_236 = arith.muli %add3A_234, %mul3A_235 : i32
        %get3A_237 = arith.index_cast %mul3A_236 : i32 to index
        %get3A_238 = tpu.vector_load %arg5[%get3A_237] {strides = array<i32>} : memref<16640xi32, #tpu.memory_space<vmem>>, vector<16xi32>,
        %get3A_239 = arith.index_cast %mul3A_236 : i32 to index
        %get3A_240 = tpu.vector_load %arg6[%get3A_239] {strides = array<i32>} : memref<16640xf32, #tpu.memory_space<vmem>>, vector<16xf32>,
        %sub3A_241 = vector.broadcast %mul3A_80 : i32 to vector<16xi32>
        %sub3A_242 = arith.subi %get3A_238, %sub3A_241 : vector<16xi32>
        %ge3A_243 = arith.constant 0 : i32
        %ge3A_244 = vector.broadcast %ge3A_243 : i32 to vector<16xi32>
        %ge3A_245 = arith.cmpi sge, %sub3A_242, %ge3A_244 : vector<16xi32>
        %lt3A_246 = arith.constant 65536 : i32
        %lt3A_247 = vector.broadcast %lt3A_246 : i32 to vector<16xi32>
        %lt3A_248 = arith.cmpi slt, %sub3A_242, %lt3A_247 : vector<16xi32>
        %and3A_249 = arith.andi %ge3A_245, %lt3A_248 : vector<16xi1>
        %broadcast_in_dim3A_250 = arith.constant true
        %broadcast_in_dim3A_251 = vector.broadcast %broadcast_in_dim3A_250 : i1 to vector<16xi1>
        %unique3A_252, %unique3A_253 = tpu.scan_count mask(%broadcast_in_dim3A_251 : vector<16xi1>) value(%get3A_238 : vector<16xi32>) : vector<16xi1>, vector<16xi32>
        %and3A_254 = arith.andi %and3A_249, %unique3A_252 : vector<16xi1>
        %jit3A_255 = arith.constant 0 : i32
        %broadcast_in_dim3A_256 = vector.broadcast %jit3A_255 : i32 to vector<16xi32>
        %select_n3A_257 = arith.select %and3A_254, %sub3A_242, %broadcast_in_dim3A_256 : vector<16xi1>, vector<16xi32>
        tpu.vector_store_idx %arg7[%select_n3A_257], %get3A_240 masked %and3A_254 : memref<65536xf32, #tpu.memory_space<vmem>>[vector<16xi32>], vector<16xf32>, vector<16xi1>
        %mul3A_258 = arith.constant 8 : i32
        %mul3A_259 = arith.muli %while3A_179, %mul3A_258 : i32
        %add3A_260 = arith.constant 3 : i32
        %add3A_261 = arith.addi %mul3A_259, %add3A_260 : i32
        %mul3A_262 = arith.constant 16 : i32
        %mul3A_263 = arith.muli %add3A_261, %mul3A_262 : i32
        %get3A_264 = arith.index_cast %mul3A_263 : i32 to index
        %get3A_265 = tpu.vector_load %arg5[%get3A_264] {strides = array<i32>} : memref<16640xi32, #tpu.memory_space<vmem>>, vector<16xi32>,
        %get3A_266 = arith.index_cast %mul3A_263 : i32 to index
        %get3A_267 = tpu.vector_load %arg6[%get3A_266] {strides = array<i32>} : memref<16640xf32, #tpu.memory_space<vmem>>, vector<16xf32>,
        %sub3A_268 = vector.broadcast %mul3A_80 : i32 to vector<16xi32>
        %sub3A_269 = arith.subi %get3A_265, %sub3A_268 : vector<16xi32>
        %ge3A_270 = arith.constant 0 : i32
        %ge3A_271 = vector.broadcast %ge3A_270 : i32 to vector<16xi32>
        %ge3A_272 = arith.cmpi sge, %sub3A_269, %ge3A_271 : vector<16xi32>
        %lt3A_273 = arith.constant 65536 : i32
        %lt3A_274 = vector.broadcast %lt3A_273 : i32 to vector<16xi32>
        %lt3A_275 = arith.cmpi slt, %sub3A_269, %lt3A_274 : vector<16xi32>
        %and3A_276 = arith.andi %ge3A_272, %lt3A_275 : vector<16xi1>
        %broadcast_in_dim3A_277 = arith.constant true
        %broadcast_in_dim3A_278 = vector.broadcast %broadcast_in_dim3A_277 : i1 to vector<16xi1>
        %unique3A_279, %unique3A_280 = tpu.scan_count mask(%broadcast_in_dim3A_278 : vector<16xi1>) value(%get3A_265 : vector<16xi32>) : vector<16xi1>, vector<16xi32>
        %and3A_281 = arith.andi %and3A_276, %unique3A_279 : vector<16xi1>
        %jit3A_282 = arith.constant 0 : i32
        %broadcast_in_dim3A_283 = vector.broadcast %jit3A_282 : i32 to vector<16xi32>
        %select_n3A_284 = arith.select %and3A_281, %sub3A_269, %broadcast_in_dim3A_283 : vector<16xi1>, vector<16xi32>
        tpu.vector_store_idx %arg7[%select_n3A_284], %get3A_267 masked %and3A_281 : memref<65536xf32, #tpu.memory_space<vmem>>[vector<16xi32>], vector<16xf32>, vector<16xi1>
        %mul3A_285 = arith.constant 8 : i32
        %mul3A_286 = arith.muli %while3A_179, %mul3A_285 : i32
        %add3A_287 = arith.constant 4 : i32
        %add3A_288 = arith.addi %mul3A_286, %add3A_287 : i32
        %mul3A_289 = arith.constant 16 : i32
        %mul3A_290 = arith.muli %add3A_288, %mul3A_289 : i32
        %get3A_291 = arith.index_cast %mul3A_290 : i32 to index
        %get3A_292 = tpu.vector_load %arg5[%get3A_291] {strides = array<i32>} : memref<16640xi32, #tpu.memory_space<vmem>>, vector<16xi32>,
        %get3A_293 = arith.index_cast %mul3A_290 : i32 to index
        %get3A_294 = tpu.vector_load %arg6[%get3A_293] {strides = array<i32>} : memref<16640xf32, #tpu.memory_space<vmem>>, vector<16xf32>,
        %sub3A_295 = vector.broadcast %mul3A_80 : i32 to vector<16xi32>
        %sub3A_296 = arith.subi %get3A_292, %sub3A_295 : vector<16xi32>
        %ge3A_297 = arith.constant 0 : i32
        %ge3A_298 = vector.broadcast %ge3A_297 : i32 to vector<16xi32>
        %ge3A_299 = arith.cmpi sge, %sub3A_296, %ge3A_298 : vector<16xi32>
        %lt3A_300 = arith.constant 65536 : i32
        %lt3A_301 = vector.broadcast %lt3A_300 : i32 to vector<16xi32>
        %lt3A_302 = arith.cmpi slt, %sub3A_296, %lt3A_301 : vector<16xi32>
        %and3A_303 = arith.andi %ge3A_299, %lt3A_302 : vector<16xi1>
        %broadcast_in_dim3A_304 = arith.constant true
        %broadcast_in_dim3A_305 = vector.broadcast %broadcast_in_dim3A_304 : i1 to vector<16xi1>
        %unique3A_306, %unique3A_307 = tpu.scan_count mask(%broadcast_in_dim3A_305 : vector<16xi1>) value(%get3A_292 : vector<16xi32>) : vector<16xi1>, vector<16xi32>
        %and3A_308 = arith.andi %and3A_303, %unique3A_306 : vector<16xi1>
        %jit3A_309 = arith.constant 0 : i32
        %broadcast_in_dim3A_310 = vector.broadcast %jit3A_309 : i32 to vector<16xi32>
        %select_n3A_311 = arith.select %and3A_308, %sub3A_296, %broadcast_in_dim3A_310 : vector<16xi1>, vector<16xi32>
        tpu.vector_store_idx %arg7[%select_n3A_311], %get3A_294 masked %and3A_308 : memref<65536xf32, #tpu.memory_space<vmem>>[vector<16xi32>], vector<16xf32>, vector<16xi1>
        %mul3A_312 = arith.constant 8 : i32
        %mul3A_313 = arith.muli %while3A_179, %mul3A_312 : i32
        %add3A_314 = arith.constant 5 : i32
        %add3A_315 = arith.addi %mul3A_313, %add3A_314 : i32
        %mul3A_316 = arith.constant 16 : i32
        %mul3A_317 = arith.muli %add3A_315, %mul3A_316 : i32
        %get3A_318 = arith.index_cast %mul3A_317 : i32 to index
        %get3A_319 = tpu.vector_load %arg5[%get3A_318] {strides = array<i32>} : memref<16640xi32, #tpu.memory_space<vmem>>, vector<16xi32>,
        %get3A_320 = arith.index_cast %mul3A_317 : i32 to index
        %get3A_321 = tpu.vector_load %arg6[%get3A_320] {strides = array<i32>} : memref<16640xf32, #tpu.memory_space<vmem>>, vector<16xf32>,
        %sub3A_322 = vector.broadcast %mul3A_80 : i32 to vector<16xi32>
        %sub3A_323 = arith.subi %get3A_319, %sub3A_322 : vector<16xi32>
        %ge3A_324 = arith.constant 0 : i32
        %ge3A_325 = vector.broadcast %ge3A_324 : i32 to vector<16xi32>
        %ge3A_326 = arith.cmpi sge, %sub3A_323, %ge3A_325 : vector<16xi32>
        %lt3A_327 = arith.constant 65536 : i32
        %lt3A_328 = vector.broadcast %lt3A_327 : i32 to vector<16xi32>
        %lt3A_329 = arith.cmpi slt, %sub3A_323, %lt3A_328 : vector<16xi32>
        %and3A_330 = arith.andi %ge3A_326, %lt3A_329 : vector<16xi1>
        %broadcast_in_dim3A_331 = arith.constant true
        %broadcast_in_dim3A_332 = vector.broadcast %broadcast_in_dim3A_331 : i1 to vector<16xi1>
        %unique3A_333, %unique3A_334 = tpu.scan_count mask(%broadcast_in_dim3A_332 : vector<16xi1>) value(%get3A_319 : vector<16xi32>) : vector<16xi1>, vector<16xi32>
        %and3A_335 = arith.andi %and3A_330, %unique3A_333 : vector<16xi1>
        %jit3A_336 = arith.constant 0 : i32
        %broadcast_in_dim3A_337 = vector.broadcast %jit3A_336 : i32 to vector<16xi32>
        %select_n3A_338 = arith.select %and3A_335, %sub3A_323, %broadcast_in_dim3A_337 : vector<16xi1>, vector<16xi32>
        tpu.vector_store_idx %arg7[%select_n3A_338], %get3A_321 masked %and3A_335 : memref<65536xf32, #tpu.memory_space<vmem>>[vector<16xi32>], vector<16xf32>, vector<16xi1>
        %mul3A_339 = arith.constant 8 : i32
        %mul3A_340 = arith.muli %while3A_179, %mul3A_339 : i32
        %add3A_341 = arith.constant 6 : i32
        %add3A_342 = arith.addi %mul3A_340, %add3A_341 : i32
        %mul3A_343 = arith.constant 16 : i32
        %mul3A_344 = arith.muli %add3A_342, %mul3A_343 : i32
        %get3A_345 = arith.index_cast %mul3A_344 : i32 to index
        %get3A_346 = tpu.vector_load %arg5[%get3A_345] {strides = array<i32>} : memref<16640xi32, #tpu.memory_space<vmem>>, vector<16xi32>,
        %get3A_347 = arith.index_cast %mul3A_344 : i32 to index
        %get3A_348 = tpu.vector_load %arg6[%get3A_347] {strides = array<i32>} : memref<16640xf32, #tpu.memory_space<vmem>>, vector<16xf32>,
        %sub3A_349 = vector.broadcast %mul3A_80 : i32 to vector<16xi32>
        %sub3A_350 = arith.subi %get3A_346, %sub3A_349 : vector<16xi32>
        %ge3A_351 = arith.constant 0 : i32
        %ge3A_352 = vector.broadcast %ge3A_351 : i32 to vector<16xi32>
        %ge3A_353 = arith.cmpi sge, %sub3A_350, %ge3A_352 : vector<16xi32>
        %lt3A_354 = arith.constant 65536 : i32
        %lt3A_355 = vector.broadcast %lt3A_354 : i32 to vector<16xi32>
        %lt3A_356 = arith.cmpi slt, %sub3A_350, %lt3A_355 : vector<16xi32>
        %and3A_357 = arith.andi %ge3A_353, %lt3A_356 : vector<16xi1>
        %broadcast_in_dim3A_358 = arith.constant true
        %broadcast_in_dim3A_359 = vector.broadcast %broadcast_in_dim3A_358 : i1 to vector<16xi1>
        %unique3A_360, %unique3A_361 = tpu.scan_count mask(%broadcast_in_dim3A_359 : vector<16xi1>) value(%get3A_346 : vector<16xi32>) : vector<16xi1>, vector<16xi32>
        %and3A_362 = arith.andi %and3A_357, %unique3A_360 : vector<16xi1>
        %jit3A_363 = arith.constant 0 : i32
        %broadcast_in_dim3A_364 = vector.broadcast %jit3A_363 : i32 to vector<16xi32>
        %select_n3A_365 = arith.select %and3A_362, %sub3A_350, %broadcast_in_dim3A_364 : vector<16xi1>, vector<16xi32>
        tpu.vector_store_idx %arg7[%select_n3A_365], %get3A_348 masked %and3A_362 : memref<65536xf32, #tpu.memory_space<vmem>>[vector<16xi32>], vector<16xf32>, vector<16xi1>
        %mul3A_366 = arith.constant 8 : i32
        %mul3A_367 = arith.muli %while3A_179, %mul3A_366 : i32
        %add3A_368 = arith.constant 7 : i32
        %add3A_369 = arith.addi %mul3A_367, %add3A_368 : i32
        %mul3A_370 = arith.constant 16 : i32
        %mul3A_371 = arith.muli %add3A_369, %mul3A_370 : i32
        %get3A_372 = arith.index_cast %mul3A_371 : i32 to index
        %get3A_373 = tpu.vector_load %arg5[%get3A_372] {strides = array<i32>} : memref<16640xi32, #tpu.memory_space<vmem>>, vector<16xi32>,
        %get3A_374 = arith.index_cast %mul3A_371 : i32 to index
        %get3A_375 = tpu.vector_load %arg6[%get3A_374] {strides = array<i32>} : memref<16640xf32, #tpu.memory_space<vmem>>, vector<16xf32>,
        %sub3A_376 = vector.broadcast %mul3A_80 : i32 to vector<16xi32>
        %sub3A_377 = arith.subi %get3A_373, %sub3A_376 : vector<16xi32>
        %ge3A_378 = arith.constant 0 : i32
        %ge3A_379 = vector.broadcast %ge3A_378 : i32 to vector<16xi32>
        %ge3A_380 = arith.cmpi sge, %sub3A_377, %ge3A_379 : vector<16xi32>
        %lt3A_381 = arith.constant 65536 : i32
        %lt3A_382 = vector.broadcast %lt3A_381 : i32 to vector<16xi32>
        %lt3A_383 = arith.cmpi slt, %sub3A_377, %lt3A_382 : vector<16xi32>
        %and3A_384 = arith.andi %ge3A_380, %lt3A_383 : vector<16xi1>
        %broadcast_in_dim3A_385 = arith.constant true
        %broadcast_in_dim3A_386 = vector.broadcast %broadcast_in_dim3A_385 : i1 to vector<16xi1>
        %unique3A_387, %unique3A_388 = tpu.scan_count mask(%broadcast_in_dim3A_386 : vector<16xi1>) value(%get3A_373 : vector<16xi32>) : vector<16xi1>, vector<16xi32>
        %and3A_389 = arith.andi %and3A_384, %unique3A_387 : vector<16xi1>
        %jit3A_390 = arith.constant 0 : i32
        %broadcast_in_dim3A_391 = vector.broadcast %jit3A_390 : i32 to vector<16xi32>
        %select_n3A_392 = arith.select %and3A_389, %sub3A_377, %broadcast_in_dim3A_391 : vector<16xi1>, vector<16xi32>
        tpu.vector_store_idx %arg7[%select_n3A_392], %get3A_375 masked %and3A_389 : memref<65536xf32, #tpu.memory_space<vmem>>[vector<16xi32>], vector<16xf32>, vector<16xi1>
      }
      "tpu.region"() ({
        %run_scoped3A = tpu.sem_alloc : memref<!tpu.dma_semaphore, #tpu.memory_space<semaphore_mem>>
        %dma_start3A_179 = tpu.memref_slice %arg4[%select_n3A, %mul3A_78] : memref<256x131072xf32, #tpu.memory_space<hbm>> -> memref<1x65536xf32, #tpu.memory_space<hbm>>
        %dma_start3A_180 = tpu.memref_squeeze %dma_start3A_179 : memref<1x65536xf32, #tpu.memory_space<hbm>> -> memref<65536xf32, #tpu.memory_space<hbm>>
        %dma_start3A_181 = tpu.memref_slice %arg4[%select_n3A, %mul3A_78] : memref<256x131072xf32, #tpu.memory_space<hbm>> -> memref<1x65536xf32, #tpu.memory_space<hbm>>
        %dma_start3A_182 = tpu.memref_squeeze %dma_start3A_181 : memref<1x65536xf32, #tpu.memory_space<hbm>> -> memref<65536xf32, #tpu.memory_space<hbm>>
        tpu.enqueue_dma source(%arg7 : memref<65536xf32, #tpu.memory_space<vmem>>) target(%dma_start3A_182 : memref<65536xf32, #tpu.memory_space<hbm>>) target_semaphore(%run_scoped3A : memref<!tpu.dma_semaphore, #tpu.memory_space<semaphore_mem>>)
        %dma_wait3A_183 = tpu.memref_slice %arg4[%select_n3A, %mul3A_78] : memref<256x131072xf32, #tpu.memory_space<hbm>> -> memref<1x65536xf32, #tpu.memory_space<hbm>>
        %dma_wait3A_184 = tpu.memref_squeeze %dma_wait3A_183 : memref<1x65536xf32, #tpu.memory_space<hbm>> -> memref<65536xf32, #tpu.memory_space<hbm>>
        %dma_wait3A_185 = tpu.memref_slice %arg4[%select_n3A, %mul3A_78] : memref<256x131072xf32, #tpu.memory_space<hbm>> -> memref<1x65536xf32, #tpu.memory_space<hbm>>
        %dma_wait3A_186 = tpu.memref_squeeze %dma_wait3A_185 : memref<1x65536xf32, #tpu.memory_space<hbm>> -> memref<65536xf32, #tpu.memory_space<hbm>>
        tpu.wait_dma2 semaphore(%run_scoped3A : memref<!tpu.dma_semaphore, #tpu.memory_space<semaphore_mem>>) src(%arg7 : memref<65536xf32, #tpu.memory_space<vmem>>) dst(%dma_wait3A_186 : memref<65536xf32, #tpu.memory_space<hbm>>)
        tpu.yield
      }) : () -> ()
    }
    %scan3A_42 = arith.constant 16 : i32
    return
  }
}

</mosaic_0001>

<sc_bundles>
// kernel: kernel.3.cloned.1.call-start
scs
__scs_entry_jumppad:
0x0: {  	(pc) =	sbr.rel $0x88, $3  }
0x1: {  	(tag) =	ssettag $0x0;
	lr =	simm.s32 $0x1  }
0x2: {  	[smem:$0x3F9F] =	sst lr;
	_ =	strace $0xD0000000  }
0x3: {  	_ = 	snop  }
0x4: {  	_ = 	snop  }
0x5: {  	_ = 	snop  }
0x6: {  	_ = 	snop  }
0x7: {  	_ = 	snop  }
__scs_overlays_trampoline_lowered:
0x8: {  	[smem:$0x3FAE] =	sst s0  }
0x9: {  	[smem:$0x3FAF] =	sst s1  }
0xa: {  	[smem:$0x3FB0] =	sst s2  }
0xb: {  	[smem:$0x3FB1] =	sst s3  }
0xc: {  	[smem:$0x3FB2] =	sst s4  }
0xd: {  	[smem:$0x3FB3] =	sst s5  }
0xe: {  	[smem:$0x3FB4] =	sst s6  }
0xf: {  	[smem:$0x3FB5] =	sst s7  }
0x10: {  	[smem:$0x3FB6] =	sst s8  }
0x11: {  	[smem:$0x3FB7] =	sst s9;
	s0 =	simm.s32 @!p0 $0x0  }
0x12: {  	s1 =	sld [smem:$0x3F9D];
	s0 =	simm.s32 @p0 $0x1  }
0x13: {  	[smem:$0x3FB8] =	sst s0;
	s0 =	simm.s32 @!p1 $0x0  }
0x14: {  	s2 =	sld [smem:$0x3F9C];
	s0 =	simm.s32 @p1 $0x1  }
0x15: {  	[smem:$0x3FB9] =	sst s0;
	s0 =	simm.s32 @!p2 $0x0  }
0x16: {  	s3 =	sld [smem:$0x3FDB];
	s0 =	simm.s32 @p2 $0x1  }
0x17: {  	s4 =	simm.s32 $0x1BF5;
	[smem:$0x3FBB] =	sst s0  }
0x18: {  	s0 =	sld [smem:$0x3F9E];
	_ =	swait.ge [sflag:s4], $0x0  }
0x19: {  	s7 =	sld [smem:$0x3F9F]  }
0x1a: {  	s8 =	sadd.s32 $0xFFFFE003, lr  }
0x1b: {  	s9 =	sadd.s32 $0xFFFFFEF7, lr;
	s5 =	simm.s32 $0xFFFFFFFF;
	p2 =	slt.u32 s8, $0xFFFFF086  }
0x1c: {  	p1 =	slt.u32 s9, $0xF7A;
	s5 =	simm.s32 @!p2 $0x0  }
0x1d: {  	s5 =	simm.s32 @p1 $0x1;
	p0 =	seq.s32 s7, s2  }
0x1e: {  	s7 =	smul.u32 @!p0 $0xF7A, s2;
	p2 =	seq.s32 @!p0 s5, $0x0  }
0x1f: {  	s9 =	smul.u32 $0xF7A, s1;
	s8 =	simm.s32 @!p0 $0x1BF5;
	p2 =	por !p2, p0  }
0x20: {  	[sflag:s8] =	ssyncset.s32 @!p0 $0xFFFFF086;
	s6 =	sadd.s32 @!p0 s3, s7;
	s7 =	simm.s32 @!p0 $0x108  }
0x21: {  	s3 =	sadd.s32 s3, s9;
	s6 =	sadd.s32 @!p0 $0x88, s6;
	s7 =	simm.s32 @p2 $0x1082  }
0x22: {  	[simem:s7], [sflag:s8] =	dma.local @!p0 [hbm:s6], $0xF7A  }
0x23: {  	s9 =	sor.u32 $0xD0000000, s2;
	s6 =	simm.s32 $0x108;
	_ =	swait.ge @!p0 [sflag:s8], $0x0  }
0x24: {  	s3 =	sadd.s32 $0x88, s3;
	s6 =	simm.s32 @!p1 $0x1082;
	[sflag:s4] =	ssyncset.s32 $0xFFFFF086  }
0x25: {  	[simem:s6], [sflag:s4] =	dma.local [hbm:s3], $0xF7A  }
0x26: {  	[smem:$0x3F9F] =	sst s1;
	(tag) =	ssettag s2;
	_ =	strace s9  }
0x27: {  	s1 =	sld [smem:$0x3FAF]  }
0x28: {  	s2 =	sld [smem:$0x3FB0]  }
0x29: {  	s4 =	sld [smem:$0x3FB2]  }
0x2a: {  	p0 =	seq.s32 s5, $0x0;
	s5 =	sld [smem:$0x3FB3]  }
0x2b: {  	s6 =	sld [smem:$0x3FB4]  }
0x2c: {  	s7 =	sld [smem:$0x3FB5]  }
0x2d: {  	s3 =	simm.s32 $0x108;
	s8 =	sld [smem:$0x3FB6]  }
0x2e: {  	s3 =	simm.s32 @!p0 $0x1082;
	s9 =	sld [smem:$0x3FB7]  }
0x2f: {  	lr =	sadd.s32 s0, s3;
	s0 =	sld [smem:$0x3FAE]  }
0x30: {  	s3 =	sld [smem:$0x3FB1]  }
0x31: {  	[smem:$0x3FBA] =	sst s10  }
0x32: {  	s10 =	sld [smem:$0x3FB8];
	_ =	sdelay $0x3  }
0x33: {  	p0 =	seq.s32 s10, $0x1;
	s10 =	sld [smem:$0x3FBA];
	_ =	sdelay $0x3  }
0x34: {  	[smem:$0x3FBA] =	sst s10  }
0x35: {  	s10 =	sld [smem:$0x3FB9];
	_ =	sdelay $0x3  }
0x36: {  	p1 =	seq.s32 s10, $0x1;
	s10 =	sld [smem:$0x3FBA];
	_ =	sdelay $0x3  }
0x37: {  	[smem:$0x3FBA] =	sst s10  }
0x38: {  	s10 =	sld [smem:$0x3FBB]  }
0x39: {  	_ = 	snop;
	(pc) =	sbr.ind lr, $3  }
0x3a: {  	_ = 	snop  }
0x3b: {  	_ = 	snop  }
0x3c: {  	p2 =	seq.s32 s10, $0x1;
	s10 =	sld [smem:$0x3FBA]  }
0x3d: {  	_ =	shalt  }
0x3e: {  	_ =	shalt  }
0x3f: {  	_ =	shalt  }
0x40: {  	_ =	shalt  }
0x41: {  	_ =	shalt  }
0x42: {  	_ =	shalt  }
0x43: {  	_ =	shalt  }
0x44: {  	_ =	shalt  }
0x45: {  	_ =	shalt  }
0x46: {  	_ =	shalt  }
0x47: {  	_ =	shalt  }
0x48: {  	_ =	shalt  }
0x49: {  	_ =	shalt  }
0x4a: {  	_ =	shalt  }
0x4b: {  	_ =	shalt  }
0x4c: {  	_ =	shalt  }
0x4d: {  	_ =	shalt  }
0x4e: {  	_ =	shalt  }
0x4f: {  	_ =	shalt  }
0x50: {  	_ =	shalt  }
0x51: {  	_ =	shalt  }
0x52: {  	_ =	shalt  }
0x53: {  	_ =	shalt  }
0x54: {  	_ =	shalt  }
0x55: {  	_ =	shalt  }
0x56: {  	_ =	shalt  }
0x57: {  	_ =	shalt  }
0x58: {  	_ =	shalt  }
0x59: {  	_ =	shalt  }
0x5a: {  	_ =	shalt  }
0x5b: {  	_ =	shalt  }
0x5c: {  	_ =	shalt  }
0x5d: {  	_ =	shalt  }
0x5e: {  	_ =	shalt  }
0x5f: {  	_ =	shalt  }
0x60: {  	_ =	shalt  }
0x61: {  	_ =	shalt  }
0x62: {  	_ =	shalt  }
0x63: {  	_ =	shalt  }
0x64: {  	_ =	shalt  }
0x65: {  	_ =	shalt  }
0x66: {  	_ =	shalt  }
0x67: {  	_ =	shalt  }
0x68: {  	_ =	shalt  }
0x69: {  	_ =	shalt  }
0x6a: {  	_ =	shalt  }
0x6b: {  	_ =	shalt  }
0x6c: {  	_ =	shalt  }
0x6d: {  	_ =	shalt  }
0x6e: {  	_ =	shalt  }
0x6f: {  	_ =	shalt  }
0x70: {  	_ =	shalt  }
0x71: {  	_ =	shalt  }
0x72: {  	_ =	shalt  }
0x73: {  	_ =	shalt  }
0x74: {  	_ =	shalt  }
0x75: {  	_ =	shalt  }
0x76: {  	_ =	shalt  }
0x77: {  	_ =	shalt  }
0x78: {  	_ =	shalt  }
0x79: {  	_ =	shalt  }
0x7a: {  	_ =	shalt  }
0x7b: {  	_ =	shalt  }
0x7c: {  	_ =	shalt  }
0x7d: {  	_ =	shalt  }
0x7e: {  	_ =	shalt  }
0x7f: {  	_ =	shalt  }
0x80: {  	_ =	shalt  }
0x81: {  	_ =	shalt  }
0x82: {  	_ =	shalt  }
0x83: {  	_ =	shalt  }
0x84: {  	_ =	shalt  }
0x85: {  	_ =	shalt  }
0x86: {  	_ =	shalt  }
0x87: {  	_ =	shalt  }
.Lfunc_end0:
.L_simem_size_0:
called_computation_lowered:
.L_overlay_start_0:
0x88: {  	s2 =	sld [smem:$0x3FD9]  }
0x89: {  	s3 =	sld [smem:$0x3FFE];
	_ =	sdelay $0x1  }
0x8a: {  	s1 =	srdreg.scid  }
0x8b: {  	s0 =	sand.u32 $0x1, s1  }
0x8c: {  	s17 =	sshll.u32 s0, $0xA;
	s2 =	sadd.s32 s3, s2  }
0x8d: {  	s2 =	sadd.s32 s2, s17  }
0x8e: {  	[smem:$0x3FC6] =	sst s2  }
0x8f: {  	_ = 	snop  }
0x90: {  	s2 =	sld [smem:$0x3FD0];
	(tm) =	ssettm $0x1  }
0x91: {  	s18 =	sld [smem:$0x3FFB];
	_ =	sdelay $0x3  }
0x92: {  	_ =	strace s18  }
0x93: {  	s3 =	sld [smem:$0x3FFC];
	_ =	sdelay $0x3  }
0x94: {  	_ =	strace s3  }
0x95: {  	s3 =	sld [smem:$0x3FFD];
	_ =	sdelay $0x3  }
0x96: {  	_ =	strace s3  }
0x97: {  	_ =	strace $0x8FFFFFFF  }
0x98: {  	s19 =	sld [smem:$0x3FDB];
	_ =	sdelay $0x1  }
0x99: {  	s4 =	simm.s32 $_scs_section_size  }
0x9a: {  	s5 =	simm.s32 $_size__tile_overlayer_lowered;
	s6 =	simm.s32 $_tile_overlayer_lowered  }
0x9b: {  	s22 =	simm.s32 $0x1BFF;
	s21 =	sshll.u32 s6, $0x1;
	s3 =	sadd.s32 s4, s19  }
0x9c: {  	s7 =	simm.s32 $0x0;
	s20 =	sshll.u32 s5, $0x1;
	s5 =	sadd.s32 s21, s3  }
0x9d: {  	[timem:s7], [sflag:s22] =	dma.local [hbm:s5], s20  }
0x9e: {  	_ =	swait.ge [sflag:s22], s20  }
0x9f: {  	s4 =	ssub.s32 $0x0, s20;
	[sflag:s22] =	ssyncset.done $0x0  }
0xa0: {  	[sflag:s22] =	ssyncadd.s32 s4;
	_ =	sdelay $0x1  }
0xa1: {  	s23 =	simm.s32 $0x1B8B  }
0xa2: {  	_ =	swait.ge [sflag:s23], $0x1  }
0xa3: {  	[sflag:s23] =	ssyncset.done $0x0  }
0xa4: {  	s25 =	simm.s32 $0x1B8E;
	s24 =	sld [smem:$0x3FFE];
	[sflag:s23] =	ssyncadd.s32 $0xFFFFFFFF  }
0xa5: {  	s26 =	simm.s32 $execute0_lowered;
	[smem:$0x3FD2] =	sst s25  }
0xa6: {  	s5 =	sshll.u32 s26, $0x1;
	_ =	strace $0x80000046;
	[dreg:$0x1] =	wrdreg $0xFFFFFFFF  }
0xa7: {  	s28 =	simm.s32 $_size_execute0_lowered;
	s3 =	sadd.s32 s3, s5;
	[dreg:$0x0] =	wrdreg $0x0  }
0xa8: {  	s5 =	sshll.u32 s28, $0x1;
	[dreg:$0x2] =	wrdreg s3  }
0xa9: {  	[dreg:$0x3] =	wrdreg s5  }
0xaa: {  	[dreg:$0x4] =	wrdreg $0xC0  }
0xab: {  	_ =	task [dreg:s7], $0x5FFFF  }
0xac: {  	[dreg:$0x1] =	wrdreg $0xFFFFFFFF  }
0xad: {  	[dreg:$0x0] =	wrdreg $0x60  }
0xae: {  	[dreg:$0x2] =	wrdreg s2  }
0xaf: {  	[dreg:$0x3] =	wrdreg s24  }
0xb0: {  	[dreg:$0x4] =	wrdreg $0x9  }
0xb1: {  	_ =	task.clear_ibuf [dreg:s7], $0x5FFFF;
	_ =	strace $0x90000046  }
0xb2: {  	s29 =	simm.s32 $0x9;
	_ =	strace $0x80000048  }
0xb3: {  	_ =	swait.ge [sflag:s29], $0x1  }
0xb4: {  	[sflag:s29] =	ssyncadd.s32 $0xFFFFFFFF  }
0xb5: {  	_ =	strace $0x90000048  }
0xb6: {  	_ =	sfence  }
0xb7: {  	s30 =	sld [smem:$0x0];
	_ =	sdelay $0x2  }
0xb8: {  	s31 =	sshll.u32 s1, $0xD;
	s1 =	sshrl.u32 s1, $0x2  }
0xb9: {  	s3 =	sand.u32 $0x4000, s31;
	s1 =	sadd.s32 s1, s30  }
0xba: {  	s0 =	sor.u32 s3, s0;
	s1 =	sshll.u32 s1, $0x11  }
0xbb: {  	s0 =	sor.u32 s1, s0  }
0xbc: {  	s0 =	sadd.s32 $0x8F2B, s0  }
0xbd: {  	[sflag:s0] =	ssyncadd.remote.s32 $0x1  }
0xbe: {  	_ =	sfence.sel $0xFFFF  }
0xbf: {  	[dreg:$0x0] =	wrdreg $0xFFFFFFFF;
	(pc) =	sbr.abs _section_cstart, $3  }
0xc0: {  	[dreg:$0x1] =	wrdreg $0xFFFFFFFF  }
0xc1: {  	_ =	task.clear_ibuf [dreg:s7], $0x2FFFF;
	_ =	strace $0x9FFFFFFF  }
0xc2: {  	(tm) =	ssettm $0x7FFFFFFF  }
0xc3: {  	_ =	shalt  }
tec
execute0_lowered:
.L_overlay_start_1:
0x0: {  	(tag) =	ssettag $0x1  }
0x1: {  	s1 =	rddreg [dreg:$0x0]  }
0x2: {  	s6 =	rddreg [dreg:$0x1]  }
0x3: {  	s0 =	rddreg [dreg:$0x2]  }
0x4: {  	s3 =	simm.s32 $0x0;
	s4 =	srdreg.scid;
	s2 =	stileid.u32  }
0x5: {  	s9 =	simm.s32 $0x1;
	s10 =	simm.s32 $0x4100;
	s11 =	simm.s32 $0x8200  }
0x6: {  	s12 =	simm.s32 $0x80;
	s4 =	sand.u32 $0x1, s4;
	s5 =	sshll.u32 s2, $0x5  }
.Ltmp0:
0x7: {  	v0 =	vlaneseq.u32;
	s7 =	ssub.s32 $0x2, s4;
	s4 =	sshll.u32 s4, $0x4;
	(pc) =	sbr.rel .LBB2_1-.Ltmp0, $4  }
0x8: {  	s13 =	simm.s32 $0x400;
	s14 =	simm.s32 $0x2;
	v1 =	vmul.u32 $0x10000, v0;
	s4 =	sor.u32 s4, s5  }
0x9: {  	vm0 =	vmmov $0xffff;
	s15 =	simm.s32 $0x0;
	[smem:$0x7FF] =	sst s3;
	s8 =	sshrl.u32 s7, $0x1;
	v2 =	vmov s4  }
0xa: {  	v4 =	vimm.f32 $0.0e+00;
	_ =	strace $0x80000047;
	s5 =	sadd.s32 $0x80000, s6;
	v3 =	vadd.s32 $0x10000, v1;
	s7 =	ssub.s32 s7, s8;
	v2 =	vshll.u32 v2, $0x10  }
0xb: {  	s6 =	sadd.s32 $0x100000, s6;
	s8 =	simm.s32 $0x18200;
	s7 =	smax.u32 s7, $0x1;
	v1 =	vor.u32 v1, v2;
	v2 =	vadd.s32 v3, v2;
	v3 =	vimm.s32 $0x0  }
.LBB2_12:
0xc: {  	s15 =	sadd.s32 $0x1, s15  }
0xd: {  	p0 =	sne.s32 s15, s7  }
.Ltmp1:
0xe: {  	_ = 	snop;
	(pc) =	sbr.rel @!p0 .LBB2_13-.Ltmp1, $1  }
0xf: {  	_ =	sdelay $0x3  }
.LBB2_1:
0x10: {  	v6 =	vimm.s32 $0x400000;
	s16 =	simm.s32 $0x16;
	v7 =	vimm.s32 $0x400000;
	v5 =	vimm.s32 $0x0  }
.LBB2_2:
0x11: {  	v8 =	vadd.s32 v5, v7  }
0x12: {  	v9 =	vand.u32 $0x1, v8  }
0x13: {  	v60 =	vshrl.u32 v8, $0x1F;
	vm2 =	vlt.s32 v8, $0x1;
	vm1 =	veq.s32 v9, $0x1  }
0x14: {  	v8 =	vadd.s32 v60, v8;
	vm1 =	vmand vm2, vm1  }
0x15: {  	v8 =	vshra.s32 v8, $0x1;
	v61 =	vsel vm1, $0xFFFFFFFF, v3  }
0x16: {  	v8 =	vadd.s32 v61, v8;
	_ =	sdelay $0x4  }
0x17: {  	[tilespmem:s8], [sflag:$0x1] =	stream.indirect_vreg.gather [hbm4b:s1+s3], $0x1, v8, vm0, $0xb8;
	[tilespmem:$0x18280] =	vst v63  }
0x18: {  	_ =	swait.ge [sflag:s9], $0x10  }
0x19: {  	[sflag:s9] =	ssyncset.done $0x0  }
0x1a: {  	[sflag:s9] =	ssyncadd.s32 $0xFFFFFFF0  }
0x1b: {  	v62 =	vld [tilespmem:$0x18200]  }
0x1c: {  	p0 =	seq.s32 s16, $0x1  }
.Ltmp2:
0x1d: {  	_ = 	snop;
	(pc) =	sbr.rel @!p0 .LBB2_2-.Ltmp2, $3  }
0x1e: {  	_ =	sdelay $0x1  }
0x1f: {  	v63 =	vadd.s32 $0x1, v8;
	vm1 =	vlt.s32 v62, v1  }
0x20: {  	s16 =	sadd.s32 $0xFFFFFFFF, s16;
	v5 =	vsel vm1, v63, v5;
	v7 =	vsel vm1, v7, v8  }
0x21: {  	v7 =	vimm.s32 $0x0  }
0x22: {  	v8 =	vadd.s32 v7, v6  }
0x23: {  	v9 =	vand.u32 $0x1, v8  }
0x24: {  	v10 =	vshrl.u32 v8, $0x1F;
	vm1 =	vlt.s32 v8, $0x1;
	vm2 =	veq.s32 v9, $0x1  }
0x25: {  	v8 =	vadd.s32 v10, v8;
	vm1 =	vmand vm1, vm2  }
0x26: {  	v8 =	vshra.s32 v8, $0x1;
	v9 =	vsel vm1, $0xFFFFFFFF, v3  }
0x27: {  	v8 =	vadd.s32 v9, v8;
	_ =	sdelay $0x4  }
0x28: {  	[tilespmem:s8], [sflag:$0x1] =	stream.indirect_vreg.gather [hbm4b:s1+s3], $0x1, v8, vm0, $0xb8;
	[tilespmem:$0x18280] =	vst v63  }
0x29: {  	_ =	swait.ge [sflag:s9], $0x10  }
0x2a: {  	[sflag:s9] =	ssyncset.done $0x0  }
0x2b: {  	[sflag:s9] =	ssyncadd.s32 $0xFFFFFFF0  }
0x2c: {  	v9 =	vld [tilespmem:$0x18200];
	_ =	sdelay $0x4  }
0x2d: {  	s16 =	simm.s32 $0x15;
	vm1 =	vlt.s32 v9, v2;
	v9 =	vadd.s32 $0x1, v8  }
.LBB2_4:
0x2e: {  	p0 =	seq.s32 s16, $0x1;
	s16 =	sadd.s32 $0xFFFFFFFF, s16;
	v7 =	vsel vm1, v9, v7;
	v6 =	vsel vm1, v6, v8  }
0x2f: {  	v8 =	vadd.s32 v7, v6  }
0x30: {  	v9 =	vshrl.u32 v8, $0x1F;
	v10 =	vand.u32 $0x1, v8  }
0x31: {  	vm1 =	vlt.s32 v8, $0x1;
	v9 =	vadd.s32 v9, v8;
	vm2 =	veq.s32 v10, $0x1  }
0x32: {  	vm1 =	vmand vm1, vm2  }
0x33: {  	v8 =	vshra.s32 v9, $0x1;
	v9 =	vsel vm1, $0xFFFFFFFF, v3  }
0x34: {  	v8 =	vadd.s32 v9, v8;
	_ =	sdelay $0x4  }
0x35: {  	[tilespmem:s8], [sflag:$0x1] =	stream.indirect_vreg.gather [hbm4b:s1+s3], $0x1, v8, vm0, $0xb8;
	[tilespmem:$0x18280] =	vst v63  }
0x36: {  	_ =	swait.ge [sflag:s9], $0x10  }
0x37: {  	[sflag:s9] =	ssyncset.done $0x0  }
0x38: {  	[sflag:s9] =	ssyncadd.s32 $0xFFFFFFF0  }
0x39: {  	v9 =	vld [tilespmem:$0x18200]  }
.Ltmp3:
0x3a: {  	(pc) =	sbr.rel @!p0 .LBB2_4-.Ltmp3, $2  }
0x3b: {  	_ =	sdelay $0x2  }
0x3c: {  	vm1 =	vlt.s32 v9, v2;
	v9 =	vadd.s32 $0x1, v8  }
.Ltmp4:
0x3d: {  	(pc) =	sbr.rel .LBB2_6-.Ltmp4, $3  }
0x3e: {  	_ =	sdelay $0x1  }
0x3f: {  	v6 =	vsel vm1, v9, v7  }
0x40: {  	v5 =	vxor.u32 $0x80000000, v5;
	s16 =	simm.s32 $0x0;
	s17 =	simm.s32 $0x0;
	v6 =	vxor.u32 $0x80000000, v6  }
.LBB2_11:
0x41: {  	s19 =	sand.u32 $0x1, s17  }
0x42: {  	p0 =	seq.s32 s18, $0x0;
	p1 =	seq.s32 s19, $0x1  }
0x43: {  	p0 =	por !p0, !p1  }
0x44: {  	s19 =	simm.s32 $0x1;
	p0 =	por !p0, !p0  }
0x45: {  	s31 =	sshrl.u32 s18, $0x1;
	s19 =	simm.s32 @!p0 $0x0  }
0x46: {  	s18 =	ssub.s32 s31, s19  }
0x47: {  	s20 =	sshll.u32 s17, $0x13;
	s19 =	sshll.u32 s18, $0x11  }
0x48: {  	s20 =	sand.u32 $0x80000, s20;
	s18 =	sshll.u32 s18, $0x7;
	s19 =	sand.u32 $0xFFF00000, s19  }
0x49: {  	s18 =	sand.u32 $0x380, s18;
	s19 =	sor.u32 s20, s19  }
0x4a: {  	s17 =	sadd.s32 $0x1, s17;
	s18 =	sor.u32 s18, s19  }
0x4b: {  	p0 =	sne.s32 s17, $0x10;
	s18 =	sshrl.u32 s18, $0x3  }
.Ltmp5:
0x4c: {  	s18 =	sadd.s32 s6, s18;
	(pc) =	sbr.rel @!p0 .LBB2_12-.Ltmp5, $4  }
0x4d: {  	[hbm4b:s18+s12] =	stream.strided.scatter [tilespmem:s11], [sflag:$0x2], $0x10000, s13, s12, $0x38;
	[tilespmem:$0x18280] =	vst v63  }
0x4e: {  	_ =	swait.ge [sflag:s14], $0x10000  }
0x4f: {  	[sflag:s14] =	ssyncset.done $0x0  }
0x50: {  	[sflag:s14] =	ssyncadd.s32 $0xFFFF0000  }
.LBB2_6:
0x51: {  	v7 =	vmov s17  }
0x52: {  	vm1 =	veq.s32 v7, v0  }
0x53: {  	v7 =	vnsel vm1, $0x0, v5  }
0x54: {  	(xrf0) =	vmax.scan.msk.u32 $0xffff, v7;
	_ =	sdelay $0x5  }
0x55: {  	v7, _, _ =	vpop (xrf0)  }
0x56: {  	(v2sf) =	vpush v7, $0xF;
	_ =	sdelay $0xe  }
0x57: {  	s18 =	spop (v2sf)  }
0x58: {  	s19 =	sxor.u32 $0x80000000, s18  }
0x59: {  	p1 =	sgt.s32 s18, $0xFFFFFFFF;
	s18 =	sand.u32 $0xF, s18;
	p0 =	slt.s32 s19, $0x1  }
0x5a: {  	s20 =	sshra.s32 s19, $0x1F;
	p6 =	sne.s32 s18, $0x0;
	p0 =	por p1, p0  }
0x5b: {  	s29 =	sshrl.u32 s20, $0x1C;
	p0 =	por !p6, !p0  }
0x5c: {  	s18 =	sadd.s32 s29, s19;
	s19 =	simm.s32 $0x1;
	p0 =	por !p0, !p0  }
0x5d: {  	s18 =	sshrl.u32 s18, $0x4;
	s19 =	simm.s32 @!p0 $0x0  }
0x5e: {  	s18 =	ssub.s32 s18, s19  }
0x5f: {  	s18 =	sshll.u32 s18, $0x4  }
0x60: {  	p0 =	slt.s32 s18, $0x3FBF00  }
0x61: {  	s18 =	simm.s32 @!p0 $0x3FBF00  }
0x62: {  	s30 =	sshrl.u32 s18, $0x3  }
0x63: {  	s31 =	sadd.s32 s1, s30  }
0x64: {  	[tilespmem:s16], [sflag:$0x1] =	stream.linear.gather [hbm4b:s31+s16], $0x4100, $0x38;
	[tilespmem:$0x18280] =	vst v63  }
0x65: {  	s19 =	sadd.s32 s5, s30  }
0x66: {  	[tilespmem:s10], [sflag:$0x1] =	stream.linear.gather [hbm4b:s19+s16], $0x4100, $0x38;
	[tilespmem:$0x18280] =	vst v63  }
0x67: {  	s20 =	simm.s32 $0x200;
	s19 =	simm.s32 $0x0  }
.LBB2_7:
0x68: {  	p0 =	sne.s32 s20, $0x3FE00;
	[tilespmem:s19+$0x8270] =	vst v4  }
0x69: {  	[tilespmem:s19+$0x8200] =	vst v4  }
0x6a: {  	[tilespmem:s19+$0x8210] =	vst v4  }
.Ltmp6:
0x6b: {  	[tilespmem:s19+$0x8220] =	vst v4;
	(pc) =	sbr.rel @p0 .LBB2_7-.Ltmp6, $4  }
0x6c: {  	[tilespmem:s19+$0x8230] =	vst v4  }
0x6d: {  	[tilespmem:s19+$0x8240] =	vst v4  }
0x6e: {  	[tilespmem:s19+$0x8250] =	vst v4  }
0x6f: {  	[tilespmem:s19+$0x8260] =	vst v4;
	s19 =	sshra.s32 s20, $0x2;
	s20 =	sadd.s32 $0x200, s20  }
0x70: {  	v7 =	vnsel vm1, $0x0, v6  }
0x71: {  	(xrf0) =	vmax.scan.msk.u32 $0xffff, v7;
	_ =	sdelay $0x5  }
0x72: {  	v7, _, _ =	vpop (xrf0)  }
0x73: {  	(v2sf) =	vpush v7, $0xF;
	_ =	sdelay $0xe  }
0x74: {  	[tilespmem:s19+$0x8270] =	vst v4;
	s20 =	spop (v2sf)  }
0x75: {  	[tilespmem:s19+$0x8200] =	vst v4;
	s20 =	sxor.u32 $0x80000000, s20  }
0x76: {  	[tilespmem:s19+$0x8210] =	vst v4;
	s18 =	ssub.s32 s20, s18  }
0x77: {  	[tilespmem:s19+$0x8220] =	vst v4;
	s18 =	sadd.s32 $0x7F, s18  }
0x78: {  	[tilespmem:s19+$0x8230] =	vst v4;
	s21 =	sand.u32 $0x7F, s18  }
0x79: {  	[tilespmem:s19+$0x8240] =	vst v4;
	s30 =	sshra.s32 s18, $0x1F;
	p0 =	slt.s32 s18, $0x1;
	p1 =	sne.s32 s21, $0x0  }
0x7a: {  	[tilespmem:s19+$0x8250] =	vst v4;
	s31 =	sshrl.u32 s30, $0x19;
	p0 =	por !p0, !p1  }
0x7b: {  	[tilespmem:s19+$0x8260] =	vst v4;
	s19 =	simm.s32 $0x1;
	s18 =	sadd.s32 s31, s18;
	p0 =	por !p0, !p0  }
0x7c: {  	s18 =	sshra.s32 s18, $0x7;
	s19 =	simm.s32 @!p0 $0x0  }
0x7d: {  	s19 =	ssub.s32 s18, s19  }
0x7e: {  	_ =	swait.ge [sflag:s9], $0x4100;
	p0 =	slt.s32 s19, $0x1  }
.Ltmp7:
0x7f: {  	[sflag:s9] =	ssyncset.done $0x0;
	(pc) =	sbr.rel @p0 .LBB2_11-.Ltmp7, $4  }
0x80: {  	[sflag:s9] =	ssyncadd.s32 $0xFFFFBF00  }
0x81: {  	_ =	swait.ge [sflag:s9], $0x4100  }
0x82: {  	[sflag:s9] =	ssyncset.done $0x0  }
0x83: {  	[sflag:s9] =	ssyncadd.s32 $0xFFFFBF00;
	s18 =	sor.u32 s4, s17  }
0x84: {  	s20 =	sshll.u32 s18, $0x10  }
0x85: {  	s21 =	simm.s32 $0x4140;
	v7 =	vmov s20;
	s20 =	simm.s32 $0x40  }
.LBB2_10:
0x86: {  	v8 =	vld [tilespmem:s20+$0xFFFFFFC0];
	_ =	sdelay $0x4  }
0x87: {  	(xrf1) =	vunique.msk.u32 $0xffff, v8;
	_ =	sdelay $0xc  }
0x88: {  	v8 =	vsub.s32 v8, v7  }
0x89: {  	vm1 =	vlt.u32 v8, $0x10000;
	_, v9, vm2 =	vpop (xrf1)  }
0x8a: {  	vm1 =	vmand vm1, vm2  }
0x8b: {  	v9 =	vld [tilespmem:s21+$0xFFFFFFC0];
	v8 =	vnsel vm1, $0x0, v8;
	_ =	sdelay $0x4  }
0x8c: {  	[tilespmem:v8+s11+$0x0] =	vst.idx.msk vm1, v9  }
0x8d: {  	v8 =	vld [tilespmem:s20+$0xFFFFFFD0];
	_ =	sdelay $0x4  }
0x8e: {  	(xrf1) =	vunique.msk.u32 $0xffff, v8;
	_ =	sdelay $0xc  }
0x8f: {  	v8 =	vsub.s32 v8, v7  }
0x90: {  	vm1 =	vlt.u32 v8, $0x10000;
	_, v57, vm2 =	vpop (xrf1)  }
0x91: {  	vm1 =	vmand vm1, vm2  }
0x92: {  	v9 =	vld [tilespmem:s21+$0xFFFFFFD0];
	v8 =	vnsel vm1, $0x0, v8;
	_ =	sdelay $0x4  }
0x93: {  	[tilespmem:v8+s11+$0x0] =	vst.idx.msk vm1, v9  }
0x94: {  	v8 =	vld [tilespmem:s20+$0xFFFFFFE0];
	_ =	sdelay $0x4  }
0x95: {  	(xrf1) =	vunique.msk.u32 $0xffff, v8;
	_ =	sdelay $0xc  }
0x96: {  	v8 =	vsub.s32 v8, v7  }
0x97: {  	vm1 =	vlt.u32 v8, $0x10000;
	_, v58, vm2 =	vpop (xrf1)  }
0x98: {  	vm1 =	vmand vm1, vm2  }
0x99: {  	v9 =	vld [tilespmem:s21+$0xFFFFFFE0];
	v8 =	vnsel vm1, $0x0, v8;
	_ =	sdelay $0x4  }
0x9a: {  	[tilespmem:v8+s11+$0x0] =	vst.idx.msk vm1, v9  }
0x9b: {  	v8 =	vld [tilespmem:s20+$0xFFFFFFF0];
	_ =	sdelay $0x4  }
0x9c: {  	(xrf1) =	vunique.msk.u32 $0xffff, v8;
	_ =	sdelay $0xc  }
0x9d: {  	v8 =	vsub.s32 v8, v7  }
0x9e: {  	vm1 =	vlt.u32 v8, $0x10000;
	_, v59, vm2 =	vpop (xrf1)  }
0x9f: {  	vm1 =	vmand vm1, vm2  }
0xa0: {  	v9 =	vld [tilespmem:s21+$0xFFFFFFF0];
	v8 =	vnsel vm1, $0x0, v8;
	_ =	sdelay $0x4  }
0xa1: {  	[tilespmem:v8+s11+$0x0] =	vst.idx.msk vm1, v9  }
0xa2: {  	v8 =	vld [tilespmem:s20+$0x0];
	_ =	sdelay $0x4  }
0xa3: {  	(xrf1) =	vunique.msk.u32 $0xffff, v8;
	_ =	sdelay $0xc  }
0xa4: {  	v8 =	vsub.s32 v8, v7  }
0xa5: {  	vm1 =	vlt.u32 v8, $0x10000;
	_, v60, vm2 =	vpop (xrf1)  }
0xa6: {  	vm1 =	vmand vm1, vm2  }
0xa7: {  	v9 =	vld [tilespmem:s21+$0x0];
	v8 =	vnsel vm1, $0x0, v8;
	_ =	sdelay $0x4  }
0xa8: {  	[tilespmem:v8+s11+$0x0] =	vst.idx.msk vm1, v9  }
0xa9: {  	v8 =	vld [tilespmem:s20+$0x10];
	_ =	sdelay $0x4  }
0xaa: {  	(xrf1) =	vunique.msk.u32 $0xffff, v8;
	_ =	sdelay $0xc  }
0xab: {  	v8 =	vsub.s32 v8, v7  }
0xac: {  	vm1 =	vlt.u32 v8, $0x10000;
	_, v61, vm2 =	vpop (xrf1)  }
0xad: {  	vm1 =	vmand vm1, vm2  }
0xae: {  	v9 =	vld [tilespmem:s21+$0x10];
	v8 =	vnsel vm1, $0x0, v8;
	_ =	sdelay $0x4  }
0xaf: {  	[tilespmem:v8+s11+$0x0] =	vst.idx.msk vm1, v9  }
0xb0: {  	v8 =	vld [tilespmem:s20+$0x20];
	_ =	sdelay $0x4  }
0xb1: {  	(xrf1) =	vunique.msk.u32 $0xffff, v8;
	_ =	sdelay $0xc  }
0xb2: {  	v8 =	vsub.s32 v8, v7  }
0xb3: {  	vm1 =	vlt.u32 v8, $0x10000;
	_, v62, vm2 =	vpop (xrf1)  }
0xb4: {  	vm1 =	vmand vm1, vm2  }
0xb5: {  	v9 =	vld [tilespmem:s21+$0x20];
	v8 =	vnsel vm1, $0x0, v8;
	_ =	sdelay $0x4  }
0xb6: {  	[tilespmem:v8+s11+$0x0] =	vst.idx.msk vm1, v9  }
0xb7: {  	v8 =	vld [tilespmem:s20+$0x30];
	_ =	sdelay $0x4  }
0xb8: {  	(xrf1) =	vunique.msk.u32 $0xffff, v8;
	_ =	sdelay $0xc  }
0xb9: {  	v8 =	vsub.s32 v8, v7  }
0xba: {  	vm1 =	vlt.u32 v8, $0x10000;
	_, v63, vm2 =	vpop (xrf1)  }
0xbb: {  	vm1 =	vmand vm1, vm2  }
0xbc: {  	p0 =	sne.s32 s19, $0x1;
	v9 =	vld [tilespmem:s21+$0x30];
	v8 =	vnsel vm1, $0x0, v8  }
.Ltmp8:
0xbd: {  	_ = 	snop;
	(pc) =	sbr.rel @p0 .LBB2_10-.Ltmp8, $2  }
0xbe: {  	_ =	sdelay $0x2  }
0xbf: {  	s19 =	sadd.s32 $0xFFFFFFFF, s19;
	s20 =	sadd.s32 $0x80, s20;
	s21 =	sadd.s32 $0x80, s21;
	[tilespmem:v8+s11+$0x0] =	vst.idx.msk vm1, v9  }
.Ltmp9:
0xc0: {  	_ = 	snop;
	(pc) =	sbr.rel .LBB2_11-.Ltmp9, $1  }
0xc1: {  	_ =	sdelay $0x3  }
.LBB2_13:
0xc2: {  	_ =	sfence.sel $0x180000  }
0xc3: {  	[bflag:$0x0] =	sbarrier.arrive $0xFFFF  }
0xc4: {  	p0 =	sne.s32 s2, $0x0;
	_ =	strace $0x90000047  }
0xc5: {  	s0 =	sadd.s32 @!p0 $0x100000, s0;
	[bflag:$0x2] =	sbarrier.arrive $0xFFFF  }
0xc6: {  	[sflag:s0] =	ssyncadd.tile.s32 @!p0 $0x1;
	_ =	shalt  }
.Lfunc_end2:
_tile_overlayer_lowered:
.L_overlay_start_2:
0xc7: {  	(tag) =	ssettag $0x2  }
0xc8: {  	s0 =	rddreg [dreg:$0x0];
	s2 =	stileid.u32  }
0xc9: {  	s1 =	rddreg [dreg:$0x1];
	p0 =	sne.s32 s2, $0x0  }
0xca: {  	s3 =	rddreg [dreg:$0x2];
	[bflag:$0x3] =	sbarrier.arrive $0xFFFF;
	s2 =	simm.s32 @!p0 $0x1C02  }
0xcb: {  	[timem:s3], [sflag:s2] =	dma.local @!p0 [hbm:s0], s1  }
0xcc: {  	s0 =	simm.s32 @!p0 $0x2  }
0xcd: {  	_ =	swait.ge @!p0 [sflag:s0], s1  }
0xce: {  	s1 =	ssub.s32 @!p0 $0x0, s1;
	[sflag:s0] =	ssyncset.done @!p0 $0x0  }
0xcf: {  	[sflag:s0] =	ssyncadd.s32 @!p0 s1  }
0xd0: {  	[bflag:$0x3] =	sbarrier.arrive $0xFFFF  }
0xd1: {  	_ =	shalt  }

</sc_bundles>
